<compile_context>
chip_gen: v7x
topology: tpu7x:2x2x1
jax: 0.10.2.dev20260603
libtpu: 0.0.44.dev20260713+nightly
codegen_flags: <defaults>
</compile_context>

<pallas_src>
import functools

import jax
import jax.numpy as jnp
from jax import lax
from jax.experimental import pallas as pl
from jax.experimental.pallas import tpu as pltpu
from jax.experimental.pallas import tpu_sc as plsc

_T = 256
_B = 1024
_C = 192
_REMAIN = 64
_NC = 2
_NS = 16
_NW = _NC * _NS
_ROWS_PER_W = _REMAIN // _NW
_COL_CHUNK = 128
_NBUF = 3
_LAG = 0
_IDX_ROWS = _T // _NW
_CHUNKS = _ROWS_PER_W * (_B // _COL_CHUNK)


def _sc_body(p_hbm, out_hbm, fwd_hbm, bwd_hbm,
             buf0, buf1, buf2, idx_v, si0, si1, si2, so0, so1, so2):
    bufs = (buf0, buf1, buf2)
    sin = (si0, si1, si2)
    sout = (so0, so1, so2)
    wid = lax.axis_index("s") * _NC + lax.axis_index("c")

    def chunk(k):
        r, c = divmod(k, _B // _COL_CHUNK)
        t = wid * _ROWS_PER_W + r
        return t, _T - 1 - t, c * _COL_CHUNK

    def in_copy(k):
        _, src, cs = chunk(k)
        b = k % _NBUF
        return pltpu.make_async_copy(
            p_hbm.at[src, pl.ds(cs, _COL_CHUNK)], bufs[b], sin[b])

    def out_copy(k):
        t, _, cs = chunk(k)
        b = k % _NBUF
        return pltpu.make_async_copy(
            bufs[b], out_hbm.at[t, pl.ds(cs, _COL_CHUNK)], sout[b])

    for k in range(_NBUF):
        in_copy(k).start()

    base = wid * _IDX_ROWS
    for r in range(_IDX_ROWS):
        vec = jnp.zeros((16,), jnp.int32) + (_T - 1 - base - r)

        def _fill(c, carry, r=r, vec=vec):
            idx_v[r, pl.ds(c * 16, 16)] = vec
            return carry

        lax.fori_loop(0, _B // 16, _fill, 0)
    pltpu.sync_copy(idx_v, fwd_hbm.at[pl.ds(base, _IDX_ROWS)])
    pltpu.sync_copy(idx_v, bwd_hbm.at[pl.ds(base, _IDX_ROWS)])

    for k in range(_CHUNKS):
        in_copy(k).wait()
        out_copy(k).start()
        j = k - _LAG
        if 0 <= j and j + _NBUF < _CHUNKS:
            out_copy(j).wait()
            in_copy(j + _NBUF).start()
    for k in range(_CHUNKS - _NBUF, _CHUNKS):
        out_copy(k).wait()


def kernel(patches):
    sc_kernel = functools.partial(
        pl.kernel,
        mesh=plsc.VectorSubcoreMesh(core_axis_name="c", subcore_axis_name="s"),
        out_type=[
            jax.ShapeDtypeStruct((_REMAIN, _B, _C), patches.dtype),
            jax.ShapeDtypeStruct((_T, _B), jnp.int32),
            jax.ShapeDtypeStruct((_T, _B), jnp.int32),
        ],
        scratch_types=[
            pltpu.VMEM((_COL_CHUNK, _C), jnp.float32),
            pltpu.VMEM((_COL_CHUNK, _C), jnp.float32),
            pltpu.VMEM((_COL_CHUNK, _C), jnp.float32),
            pltpu.VMEM((_IDX_ROWS, _B), jnp.int32),
            pltpu.SemaphoreType.DMA,
            pltpu.SemaphoreType.DMA,
            pltpu.SemaphoreType.DMA,
            pltpu.SemaphoreType.DMA,
            pltpu.SemaphoreType.DMA,
            pltpu.SemaphoreType.DMA,
        ],
    )(_sc_body)
    out, fwd, bwd = sc_kernel(patches)
    return (out, fwd, bwd)

# --- scband reference (transcript-rebuilt; emitter-appended) ---
"""Pipeline reference for scband-patch-shuffle-27504970563853 (READ-ONLY COPY).

The authoritative reference and input builder live on the scoring server;
editing this copy changes nothing except your own understanding.
"""

import jax, jax.numpy as jnp
import numpy as np

RATIO = 0.75
MOD = 'top'


def _random_indexes(mod: str):
    # mod == 'top' branch of the original random_indexes (deterministic)
    forward_indexes = np.abs(np.sort(-np.arange(256)))
    backward_indexes = np.argsort(forward_indexes)
    return forward_indexes, backward_indexes


def setup_inputs(seed: int = 0) -> dict:
    key = jax.random.key(seed)
    patches = jax.random.normal(key, (256, 1024, 192), dtype=jnp.float32)
    return {"patches": patches}


def reference(patches):
    T, B, C = patches.shape
    remain_T = int(T * (1 - RATIO))
    indexes = [_random_indexes(MOD) for _ in range(B)]
    forward_indexes = jnp.asarray(np.stack([i[0] for i in indexes], axis=-1), dtype=jnp.int32)
    backward_indexes = jnp.asarray(np.stack([i[1] for i in indexes], axis=-1), dtype=jnp.int32)
    # take_indexes: gather along T with indexes broadcast over channel dim
    idx_full = jnp.broadcast_to(forward_indexes[:, :, None], (T, B, C))
    gathered = jnp.take_along_axis(patches, idx_full, axis=0)
    out = gathered[:remain_T]
    return (out, forward_indexes, backward_indexes)

if __name__ == "__main__":
    import jax
    _d = setup_inputs()
    print(jax.jit(kernel)(*tuple(_d.values())))

</pallas_src>

<mosaic_0001>
#map = affine_map<(d0, d1) -> (0, 0, 0)>
#map1 = affine_map<(d0, d1) -> (0, 0)>
module attributes {stable_mosaic.version = 14 : i64} {
  func.func @_sc_body(%arg0: i32, %arg1: i32, %arg2: memref<256x1024x192xf32, #tpu.memory_space<hbm>>, %arg3: memref<64x1024x192xf32, #tpu.memory_space<hbm>>, %arg4: memref<256x1024xi32, #tpu.memory_space<hbm>>, %arg5: memref<256x1024xi32, #tpu.memory_space<hbm>>, %arg6: memref<128x192xf32, #tpu.memory_space<vmem>>, %arg7: memref<128x192xf32, #tpu.memory_space<vmem>>, %arg8: memref<128x192xf32, #tpu.memory_space<vmem>>, %arg9: memref<8x1024xi32, #tpu.memory_space<vmem>>, %arg10: memref<!tpu.dma_semaphore, #tpu.memory_space<semaphore_mem>>, %arg11: memref<!tpu.dma_semaphore, #tpu.memory_space<semaphore_mem>>, %arg12: memref<!tpu.dma_semaphore, #tpu.memory_space<semaphore_mem>>, %arg13: memref<!tpu.dma_semaphore, #tpu.memory_space<semaphore_mem>>, %arg14: memref<!tpu.dma_semaphore, #tpu.memory_space<semaphore_mem>>, %arg15: memref<!tpu.dma_semaphore, #tpu.memory_space<semaphore_mem>>) attributes {dimension_semantics = [#tpu.dimension_semantics<core_parallel>, #tpu.dimension_semantics<subcore_parallel>], iteration_bounds = array<i64: 2, 16>, scalar_prefetch = 0 : i64, scratch_operands = 10 : i64, tpu.core_type = #tpu.core_type<sc_vector_subcore>, window_params = [{transform_indices = #map}, {transform_indices = #map}, {transform_indices = #map1}, {transform_indices = #map1}]} {
    %mul3A = arith.constant 2 : i32
    %mul3A_0 = arith.muli %arg1, %mul3A : i32
    %add3A = arith.addi %mul3A_0, %arg0 : i32
    %mul3A_1 = arith.constant 2 : i32
    %mul3A_2 = arith.muli %add3A, %mul3A_1 : i32
    %add3A_3 = arith.constant 0 : i32
    %add3A_4 = arith.addi %mul3A_2, %add3A_3 : i32
    %sub3A = arith.constant 255 : i32
    %sub3A_5 = arith.subi %sub3A, %add3A_4 : i32
    %dma_start3A = arith.constant 0 : i32
    %dma_start3A_6 = arith.constant 0 : i32
    %dma_start3A_7 = tpu.memref_slice %arg2[%sub3A_5, %dma_start3A, %dma_start3A_6] : memref<256x1024x192xf32, #tpu.memory_space<hbm>> -> memref<1x128x192xf32, #tpu.memory_space<hbm>>
    %dma_start3A_8 = tpu.memref_squeeze %dma_start3A_7 : memref<1x128x192xf32, #tpu.memory_space<hbm>> -> memref<128x192xf32, #tpu.memory_space<hbm>>
    %dma_start3A_9 = arith.constant 0 : i32
    %dma_start3A_10 = arith.constant 0 : i32
    %dma_start3A_11 = tpu.memref_slice %arg2[%sub3A_5, %dma_start3A_9, %dma_start3A_10] : memref<256x1024x192xf32, #tpu.memory_space<hbm>> -> memref<1x128x192xf32, #tpu.memory_space<hbm>>
    %dma_start3A_12 = tpu.memref_squeeze %dma_start3A_11 : memref<1x128x192xf32, #tpu.memory_space<hbm>> -> memref<128x192xf32, #tpu.memory_space<hbm>>
    tpu.enqueue_dma source(%dma_start3A_12 : memref<128x192xf32, #tpu.memory_space<hbm>>) target(%arg6 : memref<128x192xf32, #tpu.memory_space<vmem>>) target_semaphore(%arg10 : memref<!tpu.dma_semaphore, #tpu.memory_space<semaphore_mem>>)
    %mul3A_13 = arith.constant 2 : i32
    %mul3A_14 = arith.muli %add3A, %mul3A_13 : i32
    %add3A_15 = arith.constant 0 : i32
    %add3A_16 = arith.addi %mul3A_14, %add3A_15 : i32
    %sub3A_17 = arith.constant 255 : i32
    %sub3A_18 = arith.subi %sub3A_17, %add3A_16 : i32
    %dma_start3A_19 = arith.constant 128 : i32
    %dma_start3A_20 = arith.constant 0 : i32
    %dma_start3A_21 = tpu.memref_slice %arg2[%sub3A_18, %dma_start3A_19, %dma_start3A_20] : memref<256x1024x192xf32, #tpu.memory_space<hbm>> -> memref<1x128x192xf32, #tpu.memory_space<hbm>>
    %dma_start3A_22 = tpu.memref_squeeze %dma_start3A_21 : memref<1x128x192xf32, #tpu.memory_space<hbm>> -> memref<128x192xf32, #tpu.memory_space<hbm>>
    %dma_start3A_23 = arith.constant 128 : i32
    %dma_start3A_24 = arith.constant 0 : i32
    %dma_start3A_25 = tpu.memref_slice %arg2[%sub3A_18, %dma_start3A_23, %dma_start3A_24] : memref<256x1024x192xf32, #tpu.memory_space<hbm>> -> memref<1x128x192xf32, #tpu.memory_space<hbm>>
    %dma_start3A_26 = tpu.memref_squeeze %dma_start3A_25 : memref<1x128x192xf32, #tpu.memory_space<hbm>> -> memref<128x192xf32, #tpu.memory_space<hbm>>
    tpu.enqueue_dma source(%dma_start3A_26 : memref<128x192xf32, #tpu.memory_space<hbm>>) target(%arg7 : memref<128x192xf32, #tpu.memory_space<vmem>>) target_semaphore(%arg11 : memref<!tpu.dma_semaphore, #tpu.memory_space<semaphore_mem>>)
    %mul3A_27 = arith.constant 2 : i32
    %mul3A_28 = arith.muli %add3A, %mul3A_27 : i32
    %add3A_29 = arith.constant 0 : i32
    %add3A_30 = arith.addi %mul3A_28, %add3A_29 : i32
    %sub3A_31 = arith.constant 255 : i32
    %sub3A_32 = arith.subi %sub3A_31, %add3A_30 : i32
    %dma_start3A_33 = arith.constant 256 : i32
    %dma_start3A_34 = arith.constant 0 : i32
    %dma_start3A_35 = tpu.memref_slice %arg2[%sub3A_32, %dma_start3A_33, %dma_start3A_34] : memref<256x1024x192xf32, #tpu.memory_space<hbm>> -> memref<1x128x192xf32, #tpu.memory_space<hbm>>
    %dma_start3A_36 = tpu.memref_squeeze %dma_start3A_35 : memref<1x128x192xf32, #tpu.memory_space<hbm>> -> memref<128x192xf32, #tpu.memory_space<hbm>>
    %dma_start3A_37 = arith.constant 256 : i32
    %dma_start3A_38 = arith.constant 0 : i32
    %dma_start3A_39 = tpu.memref_slice %arg2[%sub3A_32, %dma_start3A_37, %dma_start3A_38] : memref<256x1024x192xf32, #tpu.memory_space<hbm>> -> memref<1x128x192xf32, #tpu.memory_space<hbm>>
    %dma_start3A_40 = tpu.memref_squeeze %dma_start3A_39 : memref<1x128x192xf32, #tpu.memory_space<hbm>> -> memref<128x192xf32, #tpu.memory_space<hbm>>
    tpu.enqueue_dma source(%dma_start3A_40 : memref<128x192xf32, #tpu.memory_space<hbm>>) target(%arg8 : memref<128x192xf32, #tpu.memory_space<vmem>>) target_semaphore(%arg12 : memref<!tpu.dma_semaphore, #tpu.memory_space<semaphore_mem>>)
    %mul3A_41 = arith.constant 8 : i32
    %mul3A_42 = arith.muli %add3A, %mul3A_41 : i32
    %broadcast_in_dim3A = arith.constant 0 : i32
    %broadcast_in_dim3A_43 = vector.broadcast %broadcast_in_dim3A : i32 to vector<16xi32>
    %sub3A_44 = arith.constant 255 : i32
    %sub3A_45 = arith.subi %sub3A_44, %mul3A_42 : i32
    %sub3A_46 = arith.constant 0 : i32
    %sub3A_47 = arith.subi %sub3A_45, %sub3A_46 : i32
    %add3A_48 = vector.broadcast %sub3A_47 : i32 to vector<16xi32>
    %add3A_49 = arith.addi %broadcast_in_dim3A_43, %add3A_48 : vector<16xi32>
    %scan3A = arith.constant 0 : i32
    %scan3A_50 = arith.constant 0 : i32
    %scan3A_51 = arith.constant 64 : i32
    %scan3A_52 = arith.addi %scan3A_50, %scan3A_51 : i32
    %scan3A_53 = arith.constant 1 : i32
    scf.for %scan3A_1006 = %scan3A_50 to %scan3A_52 step %scan3A_53  : i32 {
      %mul3A_1007 = arith.constant 16 : i32
      %mul3A_1008 = arith.muli %scan3A_1006, %mul3A_1007 : i32
      %swap3A = arith.constant 0 : i32
      %swap3A_1009 = arith.index_cast %swap3A : i32 to index
      %swap3A_1010 = arith.index_cast %mul3A_1008 : i32 to index
      %swap3A_1011 = tpu.vector_load %arg9[%swap3A_1009, %swap3A_1010] {strides = array<i32>} : memref<8x1024xi32, #tpu.memory_space<vmem>>, vector<1x16xi32>,
      %swap3A_1012 = vector.shape_cast %swap3A_1011 : vector<1x16xi32> to vector<16xi32>
      %swap3A_1013 = vector.shape_cast %add3A_49 : vector<16xi32> to vector<1x16xi32>
      tpu.vector_store %arg9[%swap3A_1009, %swap3A_1010], %swap3A_1013 {strides = array<i32>} : memref<8x1024xi32, #tpu.memory_space<vmem>>, vector<1x16xi32>,
    }
    %scan3A_54 = arith.constant 64 : i32
    %broadcast_in_dim3A_55 = arith.constant 0 : i32
    %broadcast_in_dim3A_56 = vector.broadcast %broadcast_in_dim3A_55 : i32 to vector<16xi32>
    %sub3A_57 = arith.constant 255 : i32
    %sub3A_58 = arith.subi %sub3A_57, %mul3A_42 : i32
    %sub3A_59 = arith.constant 1 : i32
    %sub3A_60 = arith.subi %sub3A_58, %sub3A_59 : i32
    %add3A_61 = vector.broadcast %sub3A_60 : i32 to vector<16xi32>
    %add3A_62 = arith.addi %broadcast_in_dim3A_56, %add3A_61 : vector<16xi32>
    %scan3A_63 = arith.constant 0 : i32
    %scan3A_64 = arith.constant 0 : i32
    %scan3A_65 = arith.constant 64 : i32
    %scan3A_66 = arith.addi %scan3A_64, %scan3A_65 : i32
    %scan3A_67 = arith.constant 1 : i32
    scf.for %scan3A_1006 = %scan3A_64 to %scan3A_66 step %scan3A_67  : i32 {
      %mul3A_1007 = arith.constant 16 : i32
      %mul3A_1008 = arith.muli %scan3A_1006, %mul3A_1007 : i32
      %swap3A = arith.constant 1 : i32
      %swap3A_1009 = arith.index_cast %swap3A : i32 to index
      %swap3A_1010 = arith.index_cast %mul3A_1008 : i32 to index
      %swap3A_1011 = tpu.vector_load %arg9[%swap3A_1009, %swap3A_1010] {strides = array<i32>} : memref<8x1024xi32, #tpu.memory_space<vmem>>, vector<1x16xi32>,
      %swap3A_1012 = vector.shape_cast %swap3A_1011 : vector<1x16xi32> to vector<16xi32>
      %swap3A_1013 = vector.shape_cast %add3A_62 : vector<16xi32> to vector<1x16xi32>
      tpu.vector_store %arg9[%swap3A_1009, %swap3A_1010], %swap3A_1013 {strides = array<i32>} : memref<8x1024xi32, #tpu.memory_space<vmem>>, vector<1x16xi32>,
    }
    %scan3A_68 = arith.constant 64 : i32
    %broadcast_in_dim3A_69 = arith.constant 0 : i32
    %broadcast_in_dim3A_70 = vector.broadcast %broadcast_in_dim3A_69 : i32 to vector<16xi32>
    %sub3A_71 = arith.constant 255 : i32
    %sub3A_72 = arith.subi %sub3A_71, %mul3A_42 : i32
    %sub3A_73 = arith.constant 2 : i32
    %sub3A_74 = arith.subi %sub3A_72, %sub3A_73 : i32
    %add3A_75 = vector.broadcast %sub3A_74 : i32 to vector<16xi32>
    %add3A_76 = arith.addi %broadcast_in_dim3A_70, %add3A_75 : vector<16xi32>
    %scan3A_77 = arith.constant 0 : i32
    %scan3A_78 = arith.constant 0 : i32
    %scan3A_79 = arith.constant 64 : i32
    %scan3A_80 = arith.addi %scan3A_78, %scan3A_79 : i32
    %scan3A_81 = arith.constant 1 : i32
    scf.for %scan3A_1006 = %scan3A_78 to %scan3A_80 step %scan3A_81  : i32 {
      %mul3A_1007 = arith.constant 16 : i32
      %mul3A_1008 = arith.muli %scan3A_1006, %mul3A_1007 : i32
      %swap3A = arith.constant 2 : i32
      %swap3A_1009 = arith.index_cast %swap3A : i32 to index
      %swap3A_1010 = arith.index_cast %mul3A_1008 : i32 to index
      %swap3A_1011 = tpu.vector_load %arg9[%swap3A_1009, %swap3A_1010] {strides = array<i32>} : memref<8x1024xi32, #tpu.memory_space<vmem>>, vector<1x16xi32>,
      %swap3A_1012 = vector.shape_cast %swap3A_1011 : vector<1x16xi32> to vector<16xi32>
      %swap3A_1013 = vector.shape_cast %add3A_76 : vector<16xi32> to vector<1x16xi32>
      tpu.vector_store %arg9[%swap3A_1009, %swap3A_1010], %swap3A_1013 {strides = array<i32>} : memref<8x1024xi32, #tpu.memory_space<vmem>>, vector<1x16xi32>,
    }
    %scan3A_82 = arith.constant 64 : i32
    %broadcast_in_dim3A_83 = arith.constant 0 : i32
    %broadcast_in_dim3A_84 = vector.broadcast %broadcast_in_dim3A_83 : i32 to vector<16xi32>
    %sub3A_85 = arith.constant 255 : i32
    %sub3A_86 = arith.subi %sub3A_85, %mul3A_42 : i32
    %sub3A_87 = arith.constant 3 : i32
    %sub3A_88 = arith.subi %sub3A_86, %sub3A_87 : i32
    %add3A_89 = vector.broadcast %sub3A_88 : i32 to vector<16xi32>
    %add3A_90 = arith.addi %broadcast_in_dim3A_84, %add3A_89 : vector<16xi32>
    %scan3A_91 = arith.constant 0 : i32
    %scan3A_92 = arith.constant 0 : i32
    %scan3A_93 = arith.constant 64 : i32
    %scan3A_94 = arith.addi %scan3A_92, %scan3A_93 : i32
    %scan3A_95 = arith.constant 1 : i32
    scf.for %scan3A_1006 = %scan3A_92 to %scan3A_94 step %scan3A_95  : i32 {
      %mul3A_1007 = arith.constant 16 : i32
      %mul3A_1008 = arith.muli %scan3A_1006, %mul3A_1007 : i32
      %swap3A = arith.constant 3 : i32
      %swap3A_1009 = arith.index_cast %swap3A : i32 to index
      %swap3A_1010 = arith.index_cast %mul3A_1008 : i32 to index
      %swap3A_1011 = tpu.vector_load %arg9[%swap3A_1009, %swap3A_1010] {strides = array<i32>} : memref<8x1024xi32, #tpu.memory_space<vmem>>, vector<1x16xi32>,
      %swap3A_1012 = vector.shape_cast %swap3A_1011 : vector<1x16xi32> to vector<16xi32>
      %swap3A_1013 = vector.shape_cast %add3A_90 : vector<16xi32> to vector<1x16xi32>
      tpu.vector_store %arg9[%swap3A_1009, %swap3A_1010], %swap3A_1013 {strides = array<i32>} : memref<8x1024xi32, #tpu.memory_space<vmem>>, vector<1x16xi32>,
    }
    %scan3A_96 = arith.constant 64 : i32
    %broadcast_in_dim3A_97 = arith.constant 0 : i32
    %broadcast_in_dim3A_98 = vector.broadcast %broadcast_in_dim3A_97 : i32 to vector<16xi32>
    %sub3A_99 = arith.constant 255 : i32
    %sub3A_100 = arith.subi %sub3A_99, %mul3A_42 : i32
    %sub3A_101 = arith.constant 4 : i32
    %sub3A_102 = arith.subi %sub3A_100, %sub3A_101 : i32
    %add3A_103 = vector.broadcast %sub3A_102 : i32 to vector<16xi32>
    %add3A_104 = arith.addi %broadcast_in_dim3A_98, %add3A_103 : vector<16xi32>
    %scan3A_105 = arith.constant 0 : i32
    %scan3A_106 = arith.constant 0 : i32
    %scan3A_107 = arith.constant 64 : i32
    %scan3A_108 = arith.addi %scan3A_106, %scan3A_107 : i32
    %scan3A_109 = arith.constant 1 : i32
    scf.for %scan3A_1006 = %scan3A_106 to %scan3A_108 step %scan3A_109  : i32 {
      %mul3A_1007 = arith.constant 16 : i32
      %mul3A_1008 = arith.muli %scan3A_1006, %mul3A_1007 : i32
      %swap3A = arith.constant 4 : i32
      %swap3A_1009 = arith.index_cast %swap3A : i32 to index
      %swap3A_1010 = arith.index_cast %mul3A_1008 : i32 to index
      %swap3A_1011 = tpu.vector_load %arg9[%swap3A_1009, %swap3A_1010] {strides = array<i32>} : memref<8x1024xi32, #tpu.memory_space<vmem>>, vector<1x16xi32>,
      %swap3A_1012 = vector.shape_cast %swap3A_1011 : vector<1x16xi32> to vector<16xi32>
      %swap3A_1013 = vector.shape_cast %add3A_104 : vector<16xi32> to vector<1x16xi32>
      tpu.vector_store %arg9[%swap3A_1009, %swap3A_1010], %swap3A_1013 {strides = array<i32>} : memref<8x1024xi32, #tpu.memory_space<vmem>>, vector<1x16xi32>,
    }
    %scan3A_110 = arith.constant 64 : i32
    %broadcast_in_dim3A_111 = arith.constant 0 : i32
    %broadcast_in_dim3A_112 = vector.broadcast %broadcast_in_dim3A_111 : i32 to vector<16xi32>
    %sub3A_113 = arith.constant 255 : i32
    %sub3A_114 = arith.subi %sub3A_113, %mul3A_42 : i32
    %sub3A_115 = arith.constant 5 : i32
    %sub3A_116 = arith.subi %sub3A_114, %sub3A_115 : i32
    %add3A_117 = vector.broadcast %sub3A_116 : i32 to vector<16xi32>
    %add3A_118 = arith.addi %broadcast_in_dim3A_112, %add3A_117 : vector<16xi32>
    %scan3A_119 = arith.constant 0 : i32
    %scan3A_120 = arith.constant 0 : i32
    %scan3A_121 = arith.constant 64 : i32
    %scan3A_122 = arith.addi %scan3A_120, %scan3A_121 : i32
    %scan3A_123 = arith.constant 1 : i32
    scf.for %scan3A_1006 = %scan3A_120 to %scan3A_122 step %scan3A_123  : i32 {
      %mul3A_1007 = arith.constant 16 : i32
      %mul3A_1008 = arith.muli %scan3A_1006, %mul3A_1007 : i32
      %swap3A = arith.constant 5 : i32
      %swap3A_1009 = arith.index_cast %swap3A : i32 to index
      %swap3A_1010 = arith.index_cast %mul3A_1008 : i32 to index
      %swap3A_1011 = tpu.vector_load %arg9[%swap3A_1009, %swap3A_1010] {strides = array<i32>} : memref<8x1024xi32, #tpu.memory_space<vmem>>, vector<1x16xi32>,
      %swap3A_1012 = vector.shape_cast %swap3A_1011 : vector<1x16xi32> to vector<16xi32>
      %swap3A_1013 = vector.shape_cast %add3A_118 : vector<16xi32> to vector<1x16xi32>
      tpu.vector_store %arg9[%swap3A_1009, %swap3A_1010], %swap3A_1013 {strides = array<i32>} : memref<8x1024xi32, #tpu.memory_space<vmem>>, vector<1x16xi32>,
    }
    %scan3A_124 = arith.constant 64 : i32
    %broadcast_in_dim3A_125 = arith.constant 0 : i32
    %broadcast_in_dim3A_126 = vector.broadcast %broadcast_in_dim3A_125 : i32 to vector<16xi32>
    %sub3A_127 = arith.constant 255 : i32
    %sub3A_128 = arith.subi %sub3A_127, %mul3A_42 : i32
    %sub3A_129 = arith.constant 6 : i32
    %sub3A_130 = arith.subi %sub3A_128, %sub3A_129 : i32
    %add3A_131 = vector.broadcast %sub3A_130 : i32 to vector<16xi32>
    %add3A_132 = arith.addi %broadcast_in_dim3A_126, %add3A_131 : vector<16xi32>
    %scan3A_133 = arith.constant 0 : i32
    %scan3A_134 = arith.constant 0 : i32
    %scan3A_135 = arith.constant 64 : i32
    %scan3A_136 = arith.addi %scan3A_134, %scan3A_135 : i32
    %scan3A_137 = arith.constant 1 : i32
    scf.for %scan3A_1006 = %scan3A_134 to %scan3A_136 step %scan3A_137  : i32 {
      %mul3A_1007 = arith.constant 16 : i32
      %mul3A_1008 = arith.muli %scan3A_1006, %mul3A_1007 : i32
      %swap3A = arith.constant 6 : i32
      %swap3A_1009 = arith.index_cast %swap3A : i32 to index
      %swap3A_1010 = arith.index_cast %mul3A_1008 : i32 to index
      %swap3A_1011 = tpu.vector_load %arg9[%swap3A_1009, %swap3A_1010] {strides = array<i32>} : memref<8x1024xi32, #tpu.memory_space<vmem>>, vector<1x16xi32>,
      %swap3A_1012 = vector.shape_cast %swap3A_1011 : vector<1x16xi32> to vector<16xi32>
      %swap3A_1013 = vector.shape_cast %add3A_132 : vector<16xi32> to vector<1x16xi32>
      tpu.vector_store %arg9[%swap3A_1009, %swap3A_1010], %swap3A_1013 {strides = array<i32>} : memref<8x1024xi32, #tpu.memory_space<vmem>>, vector<1x16xi32>,
    }
    %scan3A_138 = arith.constant 64 : i32
    %broadcast_in_dim3A_139 = arith.constant 0 : i32
    %broadcast_in_dim3A_140 = vector.broadcast %broadcast_in_dim3A_139 : i32 to vector<16xi32>
    %sub3A_141 = arith.constant 255 : i32
    %sub3A_142 = arith.subi %sub3A_141, %mul3A_42 : i32
    %sub3A_143 = arith.constant 7 : i32
    %sub3A_144 = arith.subi %sub3A_142, %sub3A_143 : i32
    %add3A_145 = vector.broadcast %sub3A_144 : i32 to vector<16xi32>
    %add3A_146 = arith.addi %broadcast_in_dim3A_140, %add3A_145 : vector<16xi32>
    %scan3A_147 = arith.constant 0 : i32
    %scan3A_148 = arith.constant 0 : i32
    %scan3A_149 = arith.constant 64 : i32
    %scan3A_150 = arith.addi %scan3A_148, %scan3A_149 : i32
    %scan3A_151 = arith.constant 1 : i32
    scf.for %scan3A_1006 = %scan3A_148 to %scan3A_150 step %scan3A_151  : i32 {
      %mul3A_1007 = arith.constant 16 : i32
      %mul3A_1008 = arith.muli %scan3A_1006, %mul3A_1007 : i32
      %swap3A = arith.constant 7 : i32
      %swap3A_1009 = arith.index_cast %swap3A : i32 to index
      %swap3A_1010 = arith.index_cast %mul3A_1008 : i32 to index
      %swap3A_1011 = tpu.vector_load %arg9[%swap3A_1009, %swap3A_1010] {strides = array<i32>} : memref<8x1024xi32, #tpu.memory_space<vmem>>, vector<1x16xi32>,
      %swap3A_1012 = vector.shape_cast %swap3A_1011 : vector<1x16xi32> to vector<16xi32>
      %swap3A_1013 = vector.shape_cast %add3A_146 : vector<16xi32> to vector<1x16xi32>
      tpu.vector_store %arg9[%swap3A_1009, %swap3A_1010], %swap3A_1013 {strides = array<i32>} : memref<8x1024xi32, #tpu.memory_space<vmem>>, vector<1x16xi32>,
    }
    %scan3A_152 = arith.constant 64 : i32
    "tpu.region"() ({
      %run_scoped3A = tpu.sem_alloc : memref<!tpu.dma_semaphore, #tpu.memory_space<semaphore_mem>>
      %dma_start3A_1006 = arith.constant 0 : i32
      %dma_start3A_1007 = tpu.memref_slice %arg4[%mul3A_42, %dma_start3A_1006] : memref<256x1024xi32, #tpu.memory_space<hbm>> -> memref<8x1024xi32, #tpu.memory_space<hbm>>
      %dma_start3A_1008 = arith.constant 0 : i32
      %dma_start3A_1009 = tpu.memref_slice %arg4[%mul3A_42, %dma_start3A_1008] : memref<256x1024xi32, #tpu.memory_space<hbm>> -> memref<8x1024xi32, #tpu.memory_space<hbm>>
      tpu.enqueue_dma source(%arg9 : memref<8x1024xi32, #tpu.memory_space<vmem>>) target(%dma_start3A_1009 : memref<8x1024xi32, #tpu.memory_space<hbm>>) target_semaphore(%run_scoped3A : memref<!tpu.dma_semaphore, #tpu.memory_space<semaphore_mem>>)
      %dma_wait3A_1010 = arith.constant 0 : i32
      %dma_wait3A_1011 = tpu.memref_slice %arg4[%mul3A_42, %dma_wait3A_1010] : memref<256x1024xi32, #tpu.memory_space<hbm>> -> memref<8x1024xi32, #tpu.memory_space<hbm>>
      %dma_wait3A_1012 = arith.constant 0 : i32
      %dma_wait3A_1013 = tpu.memref_slice %arg4[%mul3A_42, %dma_wait3A_1012] : memref<256x1024xi32, #tpu.memory_space<hbm>> -> memref<8x1024xi32, #tpu.memory_space<hbm>>
      tpu.wait_dma2 semaphore(%run_scoped3A : memref<!tpu.dma_semaphore, #tpu.memory_space<semaphore_mem>>) src(%arg9 : memref<8x1024xi32, #tpu.memory_space<vmem>>) dst(%dma_wait3A_1013 : memref<8x1024xi32, #tpu.memory_space<hbm>>)
      tpu.yield
    }) : () -> ()
    "tpu.region"() ({
      %run_scoped3A = tpu.sem_alloc : memref<!tpu.dma_semaphore, #tpu.memory_space<semaphore_mem>>
      %dma_start3A_1006 = arith.constant 0 : i32
      %dma_start3A_1007 = tpu.memref_slice %arg5[%mul3A_42, %dma_start3A_1006] : memref<256x1024xi32, #tpu.memory_space<hbm>> -> memref<8x1024xi32, #tpu.memory_space<hbm>>
      %dma_start3A_1008 = arith.constant 0 : i32
      %dma_start3A_1009 = tpu.memref_slice %arg5[%mul3A_42, %dma_start3A_1008] : memref<256x1024xi32, #tpu.memory_space<hbm>> -> memref<8x1024xi32, #tpu.memory_space<hbm>>
      tpu.enqueue_dma source(%arg9 : memref<8x1024xi32, #tpu.memory_space<vmem>>) target(%dma_start3A_1009 : memref<8x1024xi32, #tpu.memory_space<hbm>>) target_semaphore(%run_scoped3A : memref<!tpu.dma_semaphore, #tpu.memory_space<semaphore_mem>>)
      %dma_wait3A_1010 = arith.constant 0 : i32
      %dma_wait3A_1011 = tpu.memref_slice %arg5[%mul3A_42, %dma_wait3A_1010] : memref<256x1024xi32, #tpu.memory_space<hbm>> -> memref<8x1024xi32, #tpu.memory_space<hbm>>
      %dma_wait3A_1012 = arith.constant 0 : i32
      %dma_wait3A_1013 = tpu.memref_slice %arg5[%mul3A_42, %dma_wait3A_1012] : memref<256x1024xi32, #tpu.memory_space<hbm>> -> memref<8x1024xi32, #tpu.memory_space<hbm>>
      tpu.wait_dma2 semaphore(%run_scoped3A : memref<!tpu.dma_semaphore, #tpu.memory_space<semaphore_mem>>) src(%arg9 : memref<8x1024xi32, #tpu.memory_space<vmem>>) dst(%dma_wait3A_1013 : memref<8x1024xi32, #tpu.memory_space<hbm>>)
      tpu.yield
    }) : () -> ()
    %mul3A_153 = arith.constant 2 : i32
    %mul3A_154 = arith.muli %add3A, %mul3A_153 : i32
    %add3A_155 = arith.constant 0 : i32
    %add3A_156 = arith.addi %mul3A_154, %add3A_155 : i32
    %sub3A_157 = arith.constant 255 : i32
    %sub3A_158 = arith.subi %sub3A_157, %add3A_156 : i32
    %dma_wait3A = arith.constant 0 : i32
    %dma_wait3A_159 = arith.constant 0 : i32
    %dma_wait3A_160 = tpu.memref_slice %arg2[%sub3A_158, %dma_wait3A, %dma_wait3A_159] : memref<256x1024x192xf32, #tpu.memory_space<hbm>> -> memref<1x128x192xf32, #tpu.memory_space<hbm>>
    %dma_wait3A_161 = tpu.memref_squeeze %dma_wait3A_160 : memref<1x128x192xf32, #tpu.memory_space<hbm>> -> memref<128x192xf32, #tpu.memory_space<hbm>>
    %dma_wait3A_162 = arith.constant 0 : i32
    %dma_wait3A_163 = arith.constant 0 : i32
    %dma_wait3A_164 = tpu.memref_slice %arg2[%sub3A_158, %dma_wait3A_162, %dma_wait3A_163] : memref<256x1024x192xf32, #tpu.memory_space<hbm>> -> memref<1x128x192xf32, #tpu.memory_space<hbm>>
    %dma_wait3A_165 = tpu.memref_squeeze %dma_wait3A_164 : memref<1x128x192xf32, #tpu.memory_space<hbm>> -> memref<128x192xf32, #tpu.memory_space<hbm>>
    tpu.wait_dma2 semaphore(%arg10 : memref<!tpu.dma_semaphore, #tpu.memory_space<semaphore_mem>>) src(%dma_wait3A_165 : memref<128x192xf32, #tpu.memory_space<hbm>>) dst(%arg6 : memref<128x192xf32, #tpu.memory_space<vmem>>)
    %mul3A_166 = arith.constant 2 : i32
    %mul3A_167 = arith.muli %add3A, %mul3A_166 : i32
    %add3A_168 = arith.constant 0 : i32
    %add3A_169 = arith.addi %mul3A_167, %add3A_168 : i32
    %sub3A_170 = arith.constant 255 : i32
    %sub3A_171 = arith.subi %sub3A_170, %add3A_169 : i32
    %dma_start3A_172 = arith.constant 0 : i32
    %dma_start3A_173 = arith.constant 0 : i32
    %dma_start3A_174 = tpu.memref_slice %arg3[%add3A_169, %dma_start3A_172, %dma_start3A_173] : memref<64x1024x192xf32, #tpu.memory_space<hbm>> -> memref<1x128x192xf32, #tpu.memory_space<hbm>>
    %dma_start3A_175 = tpu.memref_squeeze %dma_start3A_174 : memref<1x128x192xf32, #tpu.memory_space<hbm>> -> memref<128x192xf32, #tpu.memory_space<hbm>>
    %dma_start3A_176 = arith.constant 0 : i32
    %dma_start3A_177 = arith.constant 0 : i32
    %dma_start3A_178 = tpu.memref_slice %arg3[%add3A_169, %dma_start3A_176, %dma_start3A_177] : memref<64x1024x192xf32, #tpu.memory_space<hbm>> -> memref<1x128x192xf32, #tpu.memory_space<hbm>>
    %dma_start3A_179 = tpu.memref_squeeze %dma_start3A_178 : memref<1x128x192xf32, #tpu.memory_space<hbm>> -> memref<128x192xf32, #tpu.memory_space<hbm>>
    tpu.enqueue_dma source(%arg6 : memref<128x192xf32, #tpu.memory_space<vmem>>) target(%dma_start3A_179 : memref<128x192xf32, #tpu.memory_space<hbm>>) target_semaphore(%arg13 : memref<!tpu.dma_semaphore, #tpu.memory_space<semaphore_mem>>)
    %mul3A_180 = arith.constant 2 : i32
    %mul3A_181 = arith.muli %add3A, %mul3A_180 : i32
    %add3A_182 = arith.constant 0 : i32
    %add3A_183 = arith.addi %mul3A_181, %add3A_182 : i32
    %sub3A_184 = arith.constant 255 : i32
    %sub3A_185 = arith.subi %sub3A_184, %add3A_183 : i32
    %dma_wait3A_186 = arith.constant 0 : i32
    %dma_wait3A_187 = arith.constant 0 : i32
    %dma_wait3A_188 = tpu.memref_slice %arg3[%add3A_183, %dma_wait3A_186, %dma_wait3A_187] : memref<64x1024x192xf32, #tpu.memory_space<hbm>> -> memref<1x128x192xf32, #tpu.memory_space<hbm>>
    %dma_wait3A_189 = tpu.memref_squeeze %dma_wait3A_188 : memref<1x128x192xf32, #tpu.memory_space<hbm>> -> memref<128x192xf32, #tpu.memory_space<hbm>>
    %dma_wait3A_190 = arith.constant 0 : i32
    %dma_wait3A_191 = arith.constant 0 : i32
    %dma_wait3A_192 = tpu.memref_slice %arg3[%add3A_183, %dma_wait3A_190, %dma_wait3A_191] : memref<64x1024x192xf32, #tpu.memory_space<hbm>> -> memref<1x128x192xf32, #tpu.memory_space<hbm>>
    %dma_wait3A_193 = tpu.memref_squeeze %dma_wait3A_192 : memref<1x128x192xf32, #tpu.memory_space<hbm>> -> memref<128x192xf32, #tpu.memory_space<hbm>>
    tpu.wait_dma2 semaphore(%arg13 : memref<!tpu.dma_semaphore, #tpu.memory_space<semaphore_mem>>) src(%arg6 : memref<128x192xf32, #tpu.memory_space<vmem>>) dst(%dma_wait3A_193 : memref<128x192xf32, #tpu.memory_space<hbm>>)
    %mul3A_194 = arith.constant 2 : i32
    %mul3A_195 = arith.muli %add3A, %mul3A_194 : i32
    %add3A_196 = arith.constant 0 : i32
    %add3A_197 = arith.addi %mul3A_195, %add3A_196 : i32
    %sub3A_198 = arith.constant 255 : i32
    %sub3A_199 = arith.subi %sub3A_198, %add3A_197 : i32
    %dma_start3A_200 = arith.constant 384 : i32
    %dma_start3A_201 = arith.constant 0 : i32
    %dma_start3A_202 = tpu.memref_slice %arg2[%sub3A_199, %dma_start3A_200, %dma_start3A_201] : memref<256x1024x192xf32, #tpu.memory_space<hbm>> -> memref<1x128x192xf32, #tpu.memory_space<hbm>>
    %dma_start3A_203 = tpu.memref_squeeze %dma_start3A_202 : memref<1x128x192xf32, #tpu.memory_space<hbm>> -> memref<128x192xf32, #tpu.memory_space<hbm>>
    %dma_start3A_204 = arith.constant 384 : i32
    %dma_start3A_205 = arith.constant 0 : i32
    %dma_start3A_206 = tpu.memref_slice %arg2[%sub3A_199, %dma_start3A_204, %dma_start3A_205] : memref<256x1024x192xf32, #tpu.memory_space<hbm>> -> memref<1x128x192xf32, #tpu.memory_space<hbm>>
    %dma_start3A_207 = tpu.memref_squeeze %dma_start3A_206 : memref<1x128x192xf32, #tpu.memory_space<hbm>> -> memref<128x192xf32, #tpu.memory_space<hbm>>
    tpu.enqueue_dma source(%dma_start3A_207 : memref<128x192xf32, #tpu.memory_space<hbm>>) target(%arg6 : memref<128x192xf32, #tpu.memory_space<vmem>>) target_semaphore(%arg10 : memref<!tpu.dma_semaphore, #tpu.memory_space<semaphore_mem>>)
    %mul3A_208 = arith.constant 2 : i32
    %mul3A_209 = arith.muli %add3A, %mul3A_208 : i32
    %add3A_210 = arith.constant 0 : i32
    %add3A_211 = arith.addi %mul3A_209, %add3A_210 : i32
    %sub3A_212 = arith.constant 255 : i32
    %sub3A_213 = arith.subi %sub3A_212, %add3A_211 : i32
    %dma_wait3A_214 = arith.constant 128 : i32
    %dma_wait3A_215 = arith.constant 0 : i32
    %dma_wait3A_216 = tpu.memref_slice %arg2[%sub3A_213, %dma_wait3A_214, %dma_wait3A_215] : memref<256x1024x192xf32, #tpu.memory_space<hbm>> -> memref<1x128x192xf32, #tpu.memory_space<hbm>>
    %dma_wait3A_217 = tpu.memref_squeeze %dma_wait3A_216 : memref<1x128x192xf32, #tpu.memory_space<hbm>> -> memref<128x192xf32, #tpu.memory_space<hbm>>
    %dma_wait3A_218 = arith.constant 128 : i32
    %dma_wait3A_219 = arith.constant 0 : i32
    %dma_wait3A_220 = tpu.memref_slice %arg2[%sub3A_213, %dma_wait3A_218, %dma_wait3A_219] : memref<256x1024x192xf32, #tpu.memory_space<hbm>> -> memref<1x128x192xf32, #tpu.memory_space<hbm>>
    %dma_wait3A_221 = tpu.memref_squeeze %dma_wait3A_220 : memref<1x128x192xf32, #tpu.memory_space<hbm>> -> memref<128x192xf32, #tpu.memory_space<hbm>>
    tpu.wait_dma2 semaphore(%arg11 : memref<!tpu.dma_semaphore, #tpu.memory_space<semaphore_mem>>) src(%dma_wait3A_221 : memref<128x192xf32, #tpu.memory_space<hbm>>) dst(%arg7 : memref<128x192xf32, #tpu.memory_space<vmem>>)
    %mul3A_222 = arith.constant 2 : i32
    %mul3A_223 = arith.muli %add3A, %mul3A_222 : i32
    %add3A_224 = arith.constant 0 : i32
    %add3A_225 = arith.addi %mul3A_223, %add3A_224 : i32
    %sub3A_226 = arith.constant 255 : i32
    %sub3A_227 = arith.subi %sub3A_226, %add3A_225 : i32
    %dma_start3A_228 = arith.constant 128 : i32
    %dma_start3A_229 = arith.constant 0 : i32
    %dma_start3A_230 = tpu.memref_slice %arg3[%add3A_225, %dma_start3A_228, %dma_start3A_229] : memref<64x1024x192xf32, #tpu.memory_space<hbm>> -> memref<1x128x192xf32, #tpu.memory_space<hbm>>
    %dma_start3A_231 = tpu.memref_squeeze %dma_start3A_230 : memref<1x128x192xf32, #tpu.memory_space<hbm>> -> memref<128x192xf32, #tpu.memory_space<hbm>>
    %dma_start3A_232 = arith.constant 128 : i32
    %dma_start3A_233 = arith.constant 0 : i32
    %dma_start3A_234 = tpu.memref_slice %arg3[%add3A_225, %dma_start3A_232, %dma_start3A_233] : memref<64x1024x192xf32, #tpu.memory_space<hbm>> -> memref<1x128x192xf32, #tpu.memory_space<hbm>>
    %dma_start3A_235 = tpu.memref_squeeze %dma_start3A_234 : memref<1x128x192xf32, #tpu.memory_space<hbm>> -> memref<128x192xf32, #tpu.memory_space<hbm>>
    tpu.enqueue_dma source(%arg7 : memref<128x192xf32, #tpu.memory_space<vmem>>) target(%dma_start3A_235 : memref<128x192xf32, #tpu.memory_space<hbm>>) target_semaphore(%arg14 : memref<!tpu.dma_semaphore, #tpu.memory_space<semaphore_mem>>)
    %mul3A_236 = arith.constant 2 : i32
    %mul3A_237 = arith.muli %add3A, %mul3A_236 : i32
    %add3A_238 = arith.constant 0 : i32
    %add3A_239 = arith.addi %mul3A_237, %add3A_238 : i32
    %sub3A_240 = arith.constant 255 : i32
    %sub3A_241 = arith.subi %sub3A_240, %add3A_239 : i32
    %dma_wait3A_242 = arith.constant 128 : i32
    %dma_wait3A_243 = arith.constant 0 : i32
    %dma_wait3A_244 = tpu.memref_slice %arg3[%add3A_239, %dma_wait3A_242, %dma_wait3A_243] : memref<64x1024x192xf32, #tpu.memory_space<hbm>> -> memref<1x128x192xf32, #tpu.memory_space<hbm>>
    %dma_wait3A_245 = tpu.memref_squeeze %dma_wait3A_244 : memref<1x128x192xf32, #tpu.memory_space<hbm>> -> memref<128x192xf32, #tpu.memory_space<hbm>>
    %dma_wait3A_246 = arith.constant 128 : i32
    %dma_wait3A_247 = arith.constant 0 : i32
    %dma_wait3A_248 = tpu.memref_slice %arg3[%add3A_239, %dma_wait3A_246, %dma_wait3A_247] : memref<64x1024x192xf32, #tpu.memory_space<hbm>> -> memref<1x128x192xf32, #tpu.memory_space<hbm>>
    %dma_wait3A_249 = tpu.memref_squeeze %dma_wait3A_248 : memref<1x128x192xf32, #tpu.memory_space<hbm>> -> memref<128x192xf32, #tpu.memory_space<hbm>>
    tpu.wait_dma2 semaphore(%arg14 : memref<!tpu.dma_semaphore, #tpu.memory_space<semaphore_mem>>) src(%arg7 : memref<128x192xf32, #tpu.memory_space<vmem>>) dst(%dma_wait3A_249 : memref<128x192xf32, #tpu.memory_space<hbm>>)
    %mul3A_250 = arith.constant 2 : i32
    %mul3A_251 = arith.muli %add3A, %mul3A_250 : i32
    %add3A_252 = arith.constant 0 : i32
    %add3A_253 = arith.addi %mul3A_251, %add3A_252 : i32
    %sub3A_254 = arith.constant 255 : i32
    %sub3A_255 = arith.subi %sub3A_254, %add3A_253 : i32
    %dma_start3A_256 = arith.constant 512 : i32
    %dma_start3A_257 = arith.constant 0 : i32
    %dma_start3A_258 = tpu.memref_slice %arg2[%sub3A_255, %dma_start3A_256, %dma_start3A_257] : memref<256x1024x192xf32, #tpu.memory_space<hbm>> -> memref<1x128x192xf32, #tpu.memory_space<hbm>>
    %dma_start3A_259 = tpu.memref_squeeze %dma_start3A_258 : memref<1x128x192xf32, #tpu.memory_space<hbm>> -> memref<128x192xf32, #tpu.memory_space<hbm>>
    %dma_start3A_260 = arith.constant 512 : i32
    %dma_start3A_261 = arith.constant 0 : i32
    %dma_start3A_262 = tpu.memref_slice %arg2[%sub3A_255, %dma_start3A_260, %dma_start3A_261] : memref<256x1024x192xf32, #tpu.memory_space<hbm>> -> memref<1x128x192xf32, #tpu.memory_space<hbm>>
    %dma_start3A_263 = tpu.memref_squeeze %dma_start3A_262 : memref<1x128x192xf32, #tpu.memory_space<hbm>> -> memref<128x192xf32, #tpu.memory_space<hbm>>
    tpu.enqueue_dma source(%dma_start3A_263 : memref<128x192xf32, #tpu.memory_space<hbm>>) target(%arg7 : memref<128x192xf32, #tpu.memory_space<vmem>>) target_semaphore(%arg11 : memref<!tpu.dma_semaphore, #tpu.memory_space<semaphore_mem>>)
    %mul3A_264 = arith.constant 2 : i32
    %mul3A_265 = arith.muli %add3A, %mul3A_264 : i32
    %add3A_266 = arith.constant 0 : i32
    %add3A_267 = arith.addi %mul3A_265, %add3A_266 : i32
    %sub3A_268 = arith.constant 255 : i32
    %sub3A_269 = arith.subi %sub3A_268, %add3A_267 : i32
    %dma_wait3A_270 = arith.constant 256 : i32
    %dma_wait3A_271 = arith.constant 0 : i32
    %dma_wait3A_272 = tpu.memref_slice %arg2[%sub3A_269, %dma_wait3A_270, %dma_wait3A_271] : memref<256x1024x192xf32, #tpu.memory_space<hbm>> -> memref<1x128x192xf32, #tpu.memory_space<hbm>>
    %dma_wait3A_273 = tpu.memref_squeeze %dma_wait3A_272 : memref<1x128x192xf32, #tpu.memory_space<hbm>> -> memref<128x192xf32, #tpu.memory_space<hbm>>
    %dma_wait3A_274 = arith.constant 256 : i32
    %dma_wait3A_275 = arith.constant 0 : i32
    %dma_wait3A_276 = tpu.memref_slice %arg2[%sub3A_269, %dma_wait3A_274, %dma_wait3A_275] : memref<256x1024x192xf32, #tpu.memory_space<hbm>> -> memref<1x128x192xf32, #tpu.memory_space<hbm>>
    %dma_wait3A_277 = tpu.memref_squeeze %dma_wait3A_276 : memref<1x128x192xf32, #tpu.memory_space<hbm>> -> memref<128x192xf32, #tpu.memory_space<hbm>>
    tpu.wait_dma2 semaphore(%arg12 : memref<!tpu.dma_semaphore, #tpu.memory_space<semaphore_mem>>) src(%dma_wait3A_277 : memref<128x192xf32, #tpu.memory_space<hbm>>) dst(%arg8 : memref<128x192xf32, #tpu.memory_space<vmem>>)
    %mul3A_278 = arith.constant 2 : i32
    %mul3A_279 = arith.muli %add3A, %mul3A_278 : i32
    %add3A_280 = arith.constant 0 : i32
    %add3A_281 = arith.addi %mul3A_279, %add3A_280 : i32
    %sub3A_282 = arith.constant 255 : i32
    %sub3A_283 = arith.subi %sub3A_282, %add3A_281 : i32
    %dma_start3A_284 = arith.constant 256 : i32
    %dma_start3A_285 = arith.constant 0 : i32
    %dma_start3A_286 = tpu.memref_slice %arg3[%add3A_281, %dma_start3A_284, %dma_start3A_285] : memref<64x1024x192xf32, #tpu.memory_space<hbm>> -> memref<1x128x192xf32, #tpu.memory_space<hbm>>
    %dma_start3A_287 = tpu.memref_squeeze %dma_start3A_286 : memref<1x128x192xf32, #tpu.memory_space<hbm>> -> memref<128x192xf32, #tpu.memory_space<hbm>>
    %dma_start3A_288 = arith.constant 256 : i32
    %dma_start3A_289 = arith.constant 0 : i32
    %dma_start3A_290 = tpu.memref_slice %arg3[%add3A_281, %dma_start3A_288, %dma_start3A_289] : memref<64x1024x192xf32, #tpu.memory_space<hbm>> -> memref<1x128x192xf32, #tpu.memory_space<hbm>>
    %dma_start3A_291 = tpu.memref_squeeze %dma_start3A_290 : memref<1x128x192xf32, #tpu.memory_space<hbm>> -> memref<128x192xf32, #tpu.memory_space<hbm>>
    tpu.enqueue_dma source(%arg8 : memref<128x192xf32, #tpu.memory_space<vmem>>) target(%dma_start3A_291 : memref<128x192xf32, #tpu.memory_space<hbm>>) target_semaphore(%arg15 : memref<!tpu.dma_semaphore, #tpu.memory_space<semaphore_mem>>)
    %mul3A_292 = arith.constant 2 : i32
    %mul3A_293 = arith.muli %add3A, %mul3A_292 : i32
    %add3A_294 = arith.constant 0 : i32
    %add3A_295 = arith.addi %mul3A_293, %add3A_294 : i32
    %sub3A_296 = arith.constant 255 : i32
    %sub3A_297 = arith.subi %sub3A_296, %add3A_295 : i32
    %dma_wait3A_298 = arith.constant 256 : i32
    %dma_wait3A_299 = arith.constant 0 : i32
    %dma_wait3A_300 = tpu.memref_slice %arg3[%add3A_295, %dma_wait3A_298, %dma_wait3A_299] : memref<64x1024x192xf32, #tpu.memory_space<hbm>> -> memref<1x128x192xf32, #tpu.memory_space<hbm>>
    %dma_wait3A_301 = tpu.memref_squeeze %dma_wait3A_300 : memref<1x128x192xf32, #tpu.memory_space<hbm>> -> memref<128x192xf32, #tpu.memory_space<hbm>>
    %dma_wait3A_302 = arith.constant 256 : i32
    %dma_wait3A_303 = arith.constant 0 : i32
    %dma_wait3A_304 = tpu.memref_slice %arg3[%add3A_295, %dma_wait3A_302, %dma_wait3A_303] : memref<64x1024x192xf32, #tpu.memory_space<hbm>> -> memref<1x128x192xf32, #tpu.memory_space<hbm>>
    %dma_wait3A_305 = tpu.memref_squeeze %dma_wait3A_304 : memref<1x128x192xf32, #tpu.memory_space<hbm>> -> memref<128x192xf32, #tpu.memory_space<hbm>>
    tpu.wait_dma2 semaphore(%arg15 : memref<!tpu.dma_semaphore, #tpu.memory_space<semaphore_mem>>) src(%arg8 : memref<128x192xf32, #tpu.memory_space<vmem>>) dst(%dma_wait3A_305 : memref<128x192xf32, #tpu.memory_space<hbm>>)
    %mul3A_306 = arith.constant 2 : i32
    %mul3A_307 = arith.muli %add3A, %mul3A_306 : i32
    %add3A_308 = arith.constant 0 : i32
    %add3A_309 = arith.addi %mul3A_307, %add3A_308 : i32
    %sub3A_310 = arith.constant 255 : i32
    %sub3A_311 = arith.subi %sub3A_310, %add3A_309 : i32
    %dma_start3A_312 = arith.constant 640 : i32
    %dma_start3A_313 = arith.constant 0 : i32
    %dma_start3A_314 = tpu.memref_slice %arg2[%sub3A_311, %dma_start3A_312, %dma_start3A_313] : memref<256x1024x192xf32, #tpu.memory_space<hbm>> -> memref<1x128x192xf32, #tpu.memory_space<hbm>>
    %dma_start3A_315 = tpu.memref_squeeze %dma_start3A_314 : memref<1x128x192xf32, #tpu.memory_space<hbm>> -> memref<128x192xf32, #tpu.memory_space<hbm>>
    %dma_start3A_316 = arith.constant 640 : i32
    %dma_start3A_317 = arith.constant 0 : i32
    %dma_start3A_318 = tpu.memref_slice %arg2[%sub3A_311, %dma_start3A_316, %dma_start3A_317] : memref<256x1024x192xf32, #tpu.memory_space<hbm>> -> memref<1x128x192xf32, #tpu.memory_space<hbm>>
    %dma_start3A_319 = tpu.memref_squeeze %dma_start3A_318 : memref<1x128x192xf32, #tpu.memory_space<hbm>> -> memref<128x192xf32, #tpu.memory_space<hbm>>
    tpu.enqueue_dma source(%dma_start3A_319 : memref<128x192xf32, #tpu.memory_space<hbm>>) target(%arg8 : memref<128x192xf32, #tpu.memory_space<vmem>>) target_semaphore(%arg12 : memref<!tpu.dma_semaphore, #tpu.memory_space<semaphore_mem>>)
    %mul3A_320 = arith.constant 2 : i32
    %mul3A_321 = arith.muli %add3A, %mul3A_320 : i32
    %add3A_322 = arith.constant 0 : i32
    %add3A_323 = arith.addi %mul3A_321, %add3A_322 : i32
    %sub3A_324 = arith.constant 255 : i32
    %sub3A_325 = arith.subi %sub3A_324, %add3A_323 : i32
    %dma_wait3A_326 = arith.constant 384 : i32
    %dma_wait3A_327 = arith.constant 0 : i32
    %dma_wait3A_328 = tpu.memref_slice %arg2[%sub3A_325, %dma_wait3A_326, %dma_wait3A_327] : memref<256x1024x192xf32, #tpu.memory_space<hbm>> -> memref<1x128x192xf32, #tpu.memory_space<hbm>>
    %dma_wait3A_329 = tpu.memref_squeeze %dma_wait3A_328 : memref<1x128x192xf32, #tpu.memory_space<hbm>> -> memref<128x192xf32, #tpu.memory_space<hbm>>
    %dma_wait3A_330 = arith.constant 384 : i32
    %dma_wait3A_331 = arith.constant 0 : i32
    %dma_wait3A_332 = tpu.memref_slice %arg2[%sub3A_325, %dma_wait3A_330, %dma_wait3A_331] : memref<256x1024x192xf32, #tpu.memory_space<hbm>> -> memref<1x128x192xf32, #tpu.memory_space<hbm>>
    %dma_wait3A_333 = tpu.memref_squeeze %dma_wait3A_332 : memref<1x128x192xf32, #tpu.memory_space<hbm>> -> memref<128x192xf32, #tpu.memory_space<hbm>>
    tpu.wait_dma2 semaphore(%arg10 : memref<!tpu.dma_semaphore, #tpu.memory_space<semaphore_mem>>) src(%dma_wait3A_333 : memref<128x192xf32, #tpu.memory_space<hbm>>) dst(%arg6 : memref<128x192xf32, #tpu.memory_space<vmem>>)
    %mul3A_334 = arith.constant 2 : i32
    %mul3A_335 = arith.muli %add3A, %mul3A_334 : i32
    %add3A_336 = arith.constant 0 : i32
    %add3A_337 = arith.addi %mul3A_335, %add3A_336 : i32
    %sub3A_338 = arith.constant 255 : i32
    %sub3A_339 = arith.subi %sub3A_338, %add3A_337 : i32
    %dma_start3A_340 = arith.constant 384 : i32
    %dma_start3A_341 = arith.constant 0 : i32
    %dma_start3A_342 = tpu.memref_slice %arg3[%add3A_337, %dma_start3A_340, %dma_start3A_341] : memref<64x1024x192xf32, #tpu.memory_space<hbm>> -> memref<1x128x192xf32, #tpu.memory_space<hbm>>
    %dma_start3A_343 = tpu.memref_squeeze %dma_start3A_342 : memref<1x128x192xf32, #tpu.memory_space<hbm>> -> memref<128x192xf32, #tpu.memory_space<hbm>>
    %dma_start3A_344 = arith.constant 384 : i32
    %dma_start3A_345 = arith.constant 0 : i32
    %dma_start3A_346 = tpu.memref_slice %arg3[%add3A_337, %dma_start3A_344, %dma_start3A_345] : memref<64x1024x192xf32, #tpu.memory_space<hbm>> -> memref<1x128x192xf32, #tpu.memory_space<hbm>>
    %dma_start3A_347 = tpu.memref_squeeze %dma_start3A_346 : memref<1x128x192xf32, #tpu.memory_space<hbm>> -> memref<128x192xf32, #tpu.memory_space<hbm>>
    tpu.enqueue_dma source(%arg6 : memref<128x192xf32, #tpu.memory_space<vmem>>) target(%dma_start3A_347 : memref<128x192xf32, #tpu.memory_space<hbm>>) target_semaphore(%arg13 : memref<!tpu.dma_semaphore, #tpu.memory_space<semaphore_mem>>)
    %mul3A_348 = arith.constant 2 : i32
    %mul3A_349 = arith.muli %add3A, %mul3A_348 : i32
    %add3A_350 = arith.constant 0 : i32
    %add3A_351 = arith.addi %mul3A_349, %add3A_350 : i32
    %sub3A_352 = arith.constant 255 : i32
    %sub3A_353 = arith.subi %sub3A_352, %add3A_351 : i32
    %dma_wait3A_354 = arith.constant 384 : i32
    %dma_wait3A_355 = arith.constant 0 : i32
    %dma_wait3A_356 = tpu.memref_slice %arg3[%add3A_351, %dma_wait3A_354, %dma_wait3A_355] : memref<64x1024x192xf32, #tpu.memory_space<hbm>> -> memref<1x128x192xf32, #tpu.memory_space<hbm>>
    %dma_wait3A_357 = tpu.memref_squeeze %dma_wait3A_356 : memref<1x128x192xf32, #tpu.memory_space<hbm>> -> memref<128x192xf32, #tpu.memory_space<hbm>>
    %dma_wait3A_358 = arith.constant 384 : i32
    %dma_wait3A_359 = arith.constant 0 : i32
    %dma_wait3A_360 = tpu.memref_slice %arg3[%add3A_351, %dma_wait3A_358, %dma_wait3A_359] : memref<64x1024x192xf32, #tpu.memory_space<hbm>> -> memref<1x128x192xf32, #tpu.memory_space<hbm>>
    %dma_wait3A_361 = tpu.memref_squeeze %dma_wait3A_360 : memref<1x128x192xf32, #tpu.memory_space<hbm>> -> memref<128x192xf32, #tpu.memory_space<hbm>>
    tpu.wait_dma2 semaphore(%arg13 : memref<!tpu.dma_semaphore, #tpu.memory_space<semaphore_mem>>) src(%arg6 : memref<128x192xf32, #tpu.memory_space<vmem>>) dst(%dma_wait3A_361 : memref<128x192xf32, #tpu.memory_space<hbm>>)
    %mul3A_362 = arith.constant 2 : i32
    %mul3A_363 = arith.muli %add3A, %mul3A_362 : i32
    %add3A_364 = arith.constant 0 : i32
    %add3A_365 = arith.addi %mul3A_363, %add3A_364 : i32
    %sub3A_366 = arith.constant 255 : i32
    %sub3A_367 = arith.subi %sub3A_366, %add3A_365 : i32
    %dma_start3A_368 = arith.constant 768 : i32
    %dma_start3A_369 = arith.constant 0 : i32
    %dma_start3A_370 = tpu.memref_slice %arg2[%sub3A_367, %dma_start3A_368, %dma_start3A_369] : memref<256x1024x192xf32, #tpu.memory_space<hbm>> -> memref<1x128x192xf32, #tpu.memory_space<hbm>>
    %dma_start3A_371 = tpu.memref_squeeze %dma_start3A_370 : memref<1x128x192xf32, #tpu.memory_space<hbm>> -> memref<128x192xf32, #tpu.memory_space<hbm>>
    %dma_start3A_372 = arith.constant 768 : i32
    %dma_start3A_373 = arith.constant 0 : i32
    %dma_start3A_374 = tpu.memref_slice %arg2[%sub3A_367, %dma_start3A_372, %dma_start3A_373] : memref<256x1024x192xf32, #tpu.memory_space<hbm>> -> memref<1x128x192xf32, #tpu.memory_space<hbm>>
    %dma_start3A_375 = tpu.memref_squeeze %dma_start3A_374 : memref<1x128x192xf32, #tpu.memory_space<hbm>> -> memref<128x192xf32, #tpu.memory_space<hbm>>
    tpu.enqueue_dma source(%dma_start3A_375 : memref<128x192xf32, #tpu.memory_space<hbm>>) target(%arg6 : memref<128x192xf32, #tpu.memory_space<vmem>>) target_semaphore(%arg10 : memref<!tpu.dma_semaphore, #tpu.memory_space<semaphore_mem>>)
    %mul3A_376 = arith.constant 2 : i32
    %mul3A_377 = arith.muli %add3A, %mul3A_376 : i32
    %add3A_378 = arith.constant 0 : i32
    %add3A_379 = arith.addi %mul3A_377, %add3A_378 : i32
    %sub3A_380 = arith.constant 255 : i32
    %sub3A_381 = arith.subi %sub3A_380, %add3A_379 : i32
    %dma_wait3A_382 = arith.constant 512 : i32
    %dma_wait3A_383 = arith.constant 0 : i32
    %dma_wait3A_384 = tpu.memref_slice %arg2[%sub3A_381, %dma_wait3A_382, %dma_wait3A_383] : memref<256x1024x192xf32, #tpu.memory_space<hbm>> -> memref<1x128x192xf32, #tpu.memory_space<hbm>>
    %dma_wait3A_385 = tpu.memref_squeeze %dma_wait3A_384 : memref<1x128x192xf32, #tpu.memory_space<hbm>> -> memref<128x192xf32, #tpu.memory_space<hbm>>
    %dma_wait3A_386 = arith.constant 512 : i32
    %dma_wait3A_387 = arith.constant 0 : i32
    %dma_wait3A_388 = tpu.memref_slice %arg2[%sub3A_381, %dma_wait3A_386, %dma_wait3A_387] : memref<256x1024x192xf32, #tpu.memory_space<hbm>> -> memref<1x128x192xf32, #tpu.memory_space<hbm>>
    %dma_wait3A_389 = tpu.memref_squeeze %dma_wait3A_388 : memref<1x128x192xf32, #tpu.memory_space<hbm>> -> memref<128x192xf32, #tpu.memory_space<hbm>>
    tpu.wait_dma2 semaphore(%arg11 : memref<!tpu.dma_semaphore, #tpu.memory_space<semaphore_mem>>) src(%dma_wait3A_389 : memref<128x192xf32, #tpu.memory_space<hbm>>) dst(%arg7 : memref<128x192xf32, #tpu.memory_space<vmem>>)
    %mul3A_390 = arith.constant 2 : i32
    %mul3A_391 = arith.muli %add3A, %mul3A_390 : i32
    %add3A_392 = arith.constant 0 : i32
    %add3A_393 = arith.addi %mul3A_391, %add3A_392 : i32
    %sub3A_394 = arith.constant 255 : i32
    %sub3A_395 = arith.subi %sub3A_394, %add3A_393 : i32
    %dma_start3A_396 = arith.constant 512 : i32
    %dma_start3A_397 = arith.constant 0 : i32
    %dma_start3A_398 = tpu.memref_slice %arg3[%add3A_393, %dma_start3A_396, %dma_start3A_397] : memref<64x1024x192xf32, #tpu.memory_space<hbm>> -> memref<1x128x192xf32, #tpu.memory_space<hbm>>
    %dma_start3A_399 = tpu.memref_squeeze %dma_start3A_398 : memref<1x128x192xf32, #tpu.memory_space<hbm>> -> memref<128x192xf32, #tpu.memory_space<hbm>>
    %dma_start3A_400 = arith.constant 512 : i32
    %dma_start3A_401 = arith.constant 0 : i32
    %dma_start3A_402 = tpu.memref_slice %arg3[%add3A_393, %dma_start3A_400, %dma_start3A_401] : memref<64x1024x192xf32, #tpu.memory_space<hbm>> -> memref<1x128x192xf32, #tpu.memory_space<hbm>>
    %dma_start3A_403 = tpu.memref_squeeze %dma_start3A_402 : memref<1x128x192xf32, #tpu.memory_space<hbm>> -> memref<128x192xf32, #tpu.memory_space<hbm>>
    tpu.enqueue_dma source(%arg7 : memref<128x192xf32, #tpu.memory_space<vmem>>) target(%dma_start3A_403 : memref<128x192xf32, #tpu.memory_space<hbm>>) target_semaphore(%arg14 : memref<!tpu.dma_semaphore, #tpu.memory_space<semaphore_mem>>)
    %mul3A_404 = arith.constant 2 : i32
    %mul3A_405 = arith.muli %add3A, %mul3A_404 : i32
    %add3A_406 = arith.constant 0 : i32
    %add3A_407 = arith.addi %mul3A_405, %add3A_406 : i32
    %sub3A_408 = arith.constant 255 : i32
    %sub3A_409 = arith.subi %sub3A_408, %add3A_407 : i32
    %dma_wait3A_410 = arith.constant 512 : i32
    %dma_wait3A_411 = arith.constant 0 : i32
    %dma_wait3A_412 = tpu.memref_slice %arg3[%add3A_407, %dma_wait3A_410, %dma_wait3A_411] : memref<64x1024x192xf32, #tpu.memory_space<hbm>> -> memref<1x128x192xf32, #tpu.memory_space<hbm>>
    %dma_wait3A_413 = tpu.memref_squeeze %dma_wait3A_412 : memref<1x128x192xf32, #tpu.memory_space<hbm>> -> memref<128x192xf32, #tpu.memory_space<hbm>>
    %dma_wait3A_414 = arith.constant 512 : i32
    %dma_wait3A_415 = arith.constant 0 : i32
    %dma_wait3A_416 = tpu.memref_slice %arg3[%add3A_407, %dma_wait3A_414, %dma_wait3A_415] : memref<64x1024x192xf32, #tpu.memory_space<hbm>> -> memref<1x128x192xf32, #tpu.memory_space<hbm>>
    %dma_wait3A_417 = tpu.memref_squeeze %dma_wait3A_416 : memref<1x128x192xf32, #tpu.memory_space<hbm>> -> memref<128x192xf32, #tpu.memory_space<hbm>>
    tpu.wait_dma2 semaphore(%arg14 : memref<!tpu.dma_semaphore, #tpu.memory_space<semaphore_mem>>) src(%arg7 : memref<128x192xf32, #tpu.memory_space<vmem>>) dst(%dma_wait3A_417 : memref<128x192xf32, #tpu.memory_space<hbm>>)
    %mul3A_418 = arith.constant 2 : i32
    %mul3A_419 = arith.muli %add3A, %mul3A_418 : i32
    %add3A_420 = arith.constant 0 : i32
    %add3A_421 = arith.addi %mul3A_419, %add3A_420 : i32
    %sub3A_422 = arith.constant 255 : i32
    %sub3A_423 = arith.subi %sub3A_422, %add3A_421 : i32
    %dma_start3A_424 = arith.constant 896 : i32
    %dma_start3A_425 = arith.constant 0 : i32
    %dma_start3A_426 = tpu.memref_slice %arg2[%sub3A_423, %dma_start3A_424, %dma_start3A_425] : memref<256x1024x192xf32, #tpu.memory_space<hbm>> -> memref<1x128x192xf32, #tpu.memory_space<hbm>>
    %dma_start3A_427 = tpu.memref_squeeze %dma_start3A_426 : memref<1x128x192xf32, #tpu.memory_space<hbm>> -> memref<128x192xf32, #tpu.memory_space<hbm>>
    %dma_start3A_428 = arith.constant 896 : i32
    %dma_start3A_429 = arith.constant 0 : i32
    %dma_start3A_430 = tpu.memref_slice %arg2[%sub3A_423, %dma_start3A_428, %dma_start3A_429] : memref<256x1024x192xf32, #tpu.memory_space<hbm>> -> memref<1x128x192xf32, #tpu.memory_space<hbm>>
    %dma_start3A_431 = tpu.memref_squeeze %dma_start3A_430 : memref<1x128x192xf32, #tpu.memory_space<hbm>> -> memref<128x192xf32, #tpu.memory_space<hbm>>
    tpu.enqueue_dma source(%dma_start3A_431 : memref<128x192xf32, #tpu.memory_space<hbm>>) target(%arg7 : memref<128x192xf32, #tpu.memory_space<vmem>>) target_semaphore(%arg11 : memref<!tpu.dma_semaphore, #tpu.memory_space<semaphore_mem>>)
    %mul3A_432 = arith.constant 2 : i32
    %mul3A_433 = arith.muli %add3A, %mul3A_432 : i32
    %add3A_434 = arith.constant 0 : i32
    %add3A_435 = arith.addi %mul3A_433, %add3A_434 : i32
    %sub3A_436 = arith.constant 255 : i32
    %sub3A_437 = arith.subi %sub3A_436, %add3A_435 : i32
    %dma_wait3A_438 = arith.constant 640 : i32
    %dma_wait3A_439 = arith.constant 0 : i32
    %dma_wait3A_440 = tpu.memref_slice %arg2[%sub3A_437, %dma_wait3A_438, %dma_wait3A_439] : memref<256x1024x192xf32, #tpu.memory_space<hbm>> -> memref<1x128x192xf32, #tpu.memory_space<hbm>>
    %dma_wait3A_441 = tpu.memref_squeeze %dma_wait3A_440 : memref<1x128x192xf32, #tpu.memory_space<hbm>> -> memref<128x192xf32, #tpu.memory_space<hbm>>
    %dma_wait3A_442 = arith.constant 640 : i32
    %dma_wait3A_443 = arith.constant 0 : i32
    %dma_wait3A_444 = tpu.memref_slice %arg2[%sub3A_437, %dma_wait3A_442, %dma_wait3A_443] : memref<256x1024x192xf32, #tpu.memory_space<hbm>> -> memref<1x128x192xf32, #tpu.memory_space<hbm>>
    %dma_wait3A_445 = tpu.memref_squeeze %dma_wait3A_444 : memref<1x128x192xf32, #tpu.memory_space<hbm>> -> memref<128x192xf32, #tpu.memory_space<hbm>>
    tpu.wait_dma2 semaphore(%arg12 : memref<!tpu.dma_semaphore, #tpu.memory_space<semaphore_mem>>) src(%dma_wait3A_445 : memref<128x192xf32, #tpu.memory_space<hbm>>) dst(%arg8 : memref<128x192xf32, #tpu.memory_space<vmem>>)
    %mul3A_446 = arith.constant 2 : i32
    %mul3A_447 = arith.muli %add3A, %mul3A_446 : i32
    %add3A_448 = arith.constant 0 : i32
    %add3A_449 = arith.addi %mul3A_447, %add3A_448 : i32
    %sub3A_450 = arith.constant 255 : i32
    %sub3A_451 = arith.subi %sub3A_450, %add3A_449 : i32
    %dma_start3A_452 = arith.constant 640 : i32
    %dma_start3A_453 = arith.constant 0 : i32
    %dma_start3A_454 = tpu.memref_slice %arg3[%add3A_449, %dma_start3A_452, %dma_start3A_453] : memref<64x1024x192xf32, #tpu.memory_space<hbm>> -> memref<1x128x192xf32, #tpu.memory_space<hbm>>
    %dma_start3A_455 = tpu.memref_squeeze %dma_start3A_454 : memref<1x128x192xf32, #tpu.memory_space<hbm>> -> memref<128x192xf32, #tpu.memory_space<hbm>>
    %dma_start3A_456 = arith.constant 640 : i32
    %dma_start3A_457 = arith.constant 0 : i32
    %dma_start3A_458 = tpu.memref_slice %arg3[%add3A_449, %dma_start3A_456, %dma_start3A_457] : memref<64x1024x192xf32, #tpu.memory_space<hbm>> -> memref<1x128x192xf32, #tpu.memory_space<hbm>>
    %dma_start3A_459 = tpu.memref_squeeze %dma_start3A_458 : memref<1x128x192xf32, #tpu.memory_space<hbm>> -> memref<128x192xf32, #tpu.memory_space<hbm>>
    tpu.enqueue_dma source(%arg8 : memref<128x192xf32, #tpu.memory_space<vmem>>) target(%dma_start3A_459 : memref<128x192xf32, #tpu.memory_space<hbm>>) target_semaphore(%arg15 : memref<!tpu.dma_semaphore, #tpu.memory_space<semaphore_mem>>)
    %mul3A_460 = arith.constant 2 : i32
    %mul3A_461 = arith.muli %add3A, %mul3A_460 : i32
    %add3A_462 = arith.constant 0 : i32
    %add3A_463 = arith.addi %mul3A_461, %add3A_462 : i32
    %sub3A_464 = arith.constant 255 : i32
    %sub3A_465 = arith.subi %sub3A_464, %add3A_463 : i32
    %dma_wait3A_466 = arith.constant 640 : i32
    %dma_wait3A_467 = arith.constant 0 : i32
    %dma_wait3A_468 = tpu.memref_slice %arg3[%add3A_463, %dma_wait3A_466, %dma_wait3A_467] : memref<64x1024x192xf32, #tpu.memory_space<hbm>> -> memref<1x128x192xf32, #tpu.memory_space<hbm>>
    %dma_wait3A_469 = tpu.memref_squeeze %dma_wait3A_468 : memref<1x128x192xf32, #tpu.memory_space<hbm>> -> memref<128x192xf32, #tpu.memory_space<hbm>>
    %dma_wait3A_470 = arith.constant 640 : i32
    %dma_wait3A_471 = arith.constant 0 : i32
    %dma_wait3A_472 = tpu.memref_slice %arg3[%add3A_463, %dma_wait3A_470, %dma_wait3A_471] : memref<64x1024x192xf32, #tpu.memory_space<hbm>> -> memref<1x128x192xf32, #tpu.memory_space<hbm>>
    %dma_wait3A_473 = tpu.memref_squeeze %dma_wait3A_472 : memref<1x128x192xf32, #tpu.memory_space<hbm>> -> memref<128x192xf32, #tpu.memory_space<hbm>>
    tpu.wait_dma2 semaphore(%arg15 : memref<!tpu.dma_semaphore, #tpu.memory_space<semaphore_mem>>) src(%arg8 : memref<128x192xf32, #tpu.memory_space<vmem>>) dst(%dma_wait3A_473 : memref<128x192xf32, #tpu.memory_space<hbm>>)
    %mul3A_474 = arith.constant 2 : i32
    %mul3A_475 = arith.muli %add3A, %mul3A_474 : i32
    %add3A_476 = arith.constant 1 : i32
    %add3A_477 = arith.addi %mul3A_475, %add3A_476 : i32
    %sub3A_478 = arith.constant 255 : i32
    %sub3A_479 = arith.subi %sub3A_478, %add3A_477 : i32
    %dma_start3A_480 = arith.constant 0 : i32
    %dma_start3A_481 = arith.constant 0 : i32
    %dma_start3A_482 = tpu.memref_slice %arg2[%sub3A_479, %dma_start3A_480, %dma_start3A_481] : memref<256x1024x192xf32, #tpu.memory_space<hbm>> -> memref<1x128x192xf32, #tpu.memory_space<hbm>>
    %dma_start3A_483 = tpu.memref_squeeze %dma_start3A_482 : memref<1x128x192xf32, #tpu.memory_space<hbm>> -> memref<128x192xf32, #tpu.memory_space<hbm>>
    %dma_start3A_484 = arith.constant 0 : i32
    %dma_start3A_485 = arith.constant 0 : i32
    %dma_start3A_486 = tpu.memref_slice %arg2[%sub3A_479, %dma_start3A_484, %dma_start3A_485] : memref<256x1024x192xf32, #tpu.memory_space<hbm>> -> memref<1x128x192xf32, #tpu.memory_space<hbm>>
    %dma_start3A_487 = tpu.memref_squeeze %dma_start3A_486 : memref<1x128x192xf32, #tpu.memory_space<hbm>> -> memref<128x192xf32, #tpu.memory_space<hbm>>
    tpu.enqueue_dma source(%dma_start3A_487 : memref<128x192xf32, #tpu.memory_space<hbm>>) target(%arg8 : memref<128x192xf32, #tpu.memory_space<vmem>>) target_semaphore(%arg12 : memref<!tpu.dma_semaphore, #tpu.memory_space<semaphore_mem>>)
    %mul3A_488 = arith.constant 2 : i32
    %mul3A_489 = arith.muli %add3A, %mul3A_488 : i32
    %add3A_490 = arith.constant 0 : i32
    %add3A_491 = arith.addi %mul3A_489, %add3A_490 : i32
    %sub3A_492 = arith.constant 255 : i32
    %sub3A_493 = arith.subi %sub3A_492, %add3A_491 : i32
    %dma_wait3A_494 = arith.constant 768 : i32
    %dma_wait3A_495 = arith.constant 0 : i32
    %dma_wait3A_496 = tpu.memref_slice %arg2[%sub3A_493, %dma_wait3A_494, %dma_wait3A_495] : memref<256x1024x192xf32, #tpu.memory_space<hbm>> -> memref<1x128x192xf32, #tpu.memory_space<hbm>>
    %dma_wait3A_497 = tpu.memref_squeeze %dma_wait3A_496 : memref<1x128x192xf32, #tpu.memory_space<hbm>> -> memref<128x192xf32, #tpu.memory_space<hbm>>
    %dma_wait3A_498 = arith.constant 768 : i32
    %dma_wait3A_499 = arith.constant 0 : i32
    %dma_wait3A_500 = tpu.memref_slice %arg2[%sub3A_493, %dma_wait3A_498, %dma_wait3A_499] : memref<256x1024x192xf32, #tpu.memory_space<hbm>> -> memref<1x128x192xf32, #tpu.memory_space<hbm>>
    %dma_wait3A_501 = tpu.memref_squeeze %dma_wait3A_500 : memref<1x128x192xf32, #tpu.memory_space<hbm>> -> memref<128x192xf32, #tpu.memory_space<hbm>>
    tpu.wait_dma2 semaphore(%arg10 : memref<!tpu.dma_semaphore, #tpu.memory_space<semaphore_mem>>) src(%dma_wait3A_501 : memref<128x192xf32, #tpu.memory_space<hbm>>) dst(%arg6 : memref<128x192xf32, #tpu.memory_space<vmem>>)
    %mul3A_502 = arith.constant 2 : i32
    %mul3A_503 = arith.muli %add3A, %mul3A_502 : i32
    %add3A_504 = arith.constant 0 : i32
    %add3A_505 = arith.addi %mul3A_503, %add3A_504 : i32
    %sub3A_506 = arith.constant 255 : i32
    %sub3A_507 = arith.subi %sub3A_506, %add3A_505 : i32
    %dma_start3A_508 = arith.constant 768 : i32
    %dma_start3A_509 = arith.constant 0 : i32
    %dma_start3A_510 = tpu.memref_slice %arg3[%add3A_505, %dma_start3A_508, %dma_start3A_509] : memref<64x1024x192xf32, #tpu.memory_space<hbm>> -> memref<1x128x192xf32, #tpu.memory_space<hbm>>
    %dma_start3A_511 = tpu.memref_squeeze %dma_start3A_510 : memref<1x128x192xf32, #tpu.memory_space<hbm>> -> memref<128x192xf32, #tpu.memory_space<hbm>>
    %dma_start3A_512 = arith.constant 768 : i32
    %dma_start3A_513 = arith.constant 0 : i32
    %dma_start3A_514 = tpu.memref_slice %arg3[%add3A_505, %dma_start3A_512, %dma_start3A_513] : memref<64x1024x192xf32, #tpu.memory_space<hbm>> -> memref<1x128x192xf32, #tpu.memory_space<hbm>>
    %dma_start3A_515 = tpu.memref_squeeze %dma_start3A_514 : memref<1x128x192xf32, #tpu.memory_space<hbm>> -> memref<128x192xf32, #tpu.memory_space<hbm>>
    tpu.enqueue_dma source(%arg6 : memref<128x192xf32, #tpu.memory_space<vmem>>) target(%dma_start3A_515 : memref<128x192xf32, #tpu.memory_space<hbm>>) target_semaphore(%arg13 : memref<!tpu.dma_semaphore, #tpu.memory_space<semaphore_mem>>)
    %mul3A_516 = arith.constant 2 : i32
    %mul3A_517 = arith.muli %add3A, %mul3A_516 : i32
    %add3A_518 = arith.constant 0 : i32
    %add3A_519 = arith.addi %mul3A_517, %add3A_518 : i32
    %sub3A_520 = arith.constant 255 : i32
    %sub3A_521 = arith.subi %sub3A_520, %add3A_519 : i32
    %dma_wait3A_522 = arith.constant 768 : i32
    %dma_wait3A_523 = arith.constant 0 : i32
    %dma_wait3A_524 = tpu.memref_slice %arg3[%add3A_519, %dma_wait3A_522, %dma_wait3A_523] : memref<64x1024x192xf32, #tpu.memory_space<hbm>> -> memref<1x128x192xf32, #tpu.memory_space<hbm>>
    %dma_wait3A_525 = tpu.memref_squeeze %dma_wait3A_524 : memref<1x128x192xf32, #tpu.memory_space<hbm>> -> memref<128x192xf32, #tpu.memory_space<hbm>>
    %dma_wait3A_526 = arith.constant 768 : i32
    %dma_wait3A_527 = arith.constant 0 : i32
    %dma_wait3A_528 = tpu.memref_slice %arg3[%add3A_519, %dma_wait3A_526, %dma_wait3A_527] : memref<64x1024x192xf32, #tpu.memory_space<hbm>> -> memref<1x128x192xf32, #tpu.memory_space<hbm>>
    %dma_wait3A_529 = tpu.memref_squeeze %dma_wait3A_528 : memref<1x128x192xf32, #tpu.memory_space<hbm>> -> memref<128x192xf32, #tpu.memory_space<hbm>>
    tpu.wait_dma2 semaphore(%arg13 : memref<!tpu.dma_semaphore, #tpu.memory_space<semaphore_mem>>) src(%arg6 : memref<128x192xf32, #tpu.memory_space<vmem>>) dst(%dma_wait3A_529 : memref<128x192xf32, #tpu.memory_space<hbm>>)
    %mul3A_530 = arith.constant 2 : i32
    %mul3A_531 = arith.muli %add3A, %mul3A_530 : i32
    %add3A_532 = arith.constant 1 : i32
    %add3A_533 = arith.addi %mul3A_531, %add3A_532 : i32
    %sub3A_534 = arith.constant 255 : i32
    %sub3A_535 = arith.subi %sub3A_534, %add3A_533 : i32
    %dma_start3A_536 = arith.constant 128 : i32
    %dma_start3A_537 = arith.constant 0 : i32
    %dma_start3A_538 = tpu.memref_slice %arg2[%sub3A_535, %dma_start3A_536, %dma_start3A_537] : memref<256x1024x192xf32, #tpu.memory_space<hbm>> -> memref<1x128x192xf32, #tpu.memory_space<hbm>>
    %dma_start3A_539 = tpu.memref_squeeze %dma_start3A_538 : memref<1x128x192xf32, #tpu.memory_space<hbm>> -> memref<128x192xf32, #tpu.memory_space<hbm>>
    %dma_start3A_540 = arith.constant 128 : i32
    %dma_start3A_541 = arith.constant 0 : i32
    %dma_start3A_542 = tpu.memref_slice %arg2[%sub3A_535, %dma_start3A_540, %dma_start3A_541] : memref<256x1024x192xf32, #tpu.memory_space<hbm>> -> memref<1x128x192xf32, #tpu.memory_space<hbm>>
    %dma_start3A_543 = tpu.memref_squeeze %dma_start3A_542 : memref<1x128x192xf32, #tpu.memory_space<hbm>> -> memref<128x192xf32, #tpu.memory_space<hbm>>
    tpu.enqueue_dma source(%dma_start3A_543 : memref<128x192xf32, #tpu.memory_space<hbm>>) target(%arg6 : memref<128x192xf32, #tpu.memory_space<vmem>>) target_semaphore(%arg10 : memref<!tpu.dma_semaphore, #tpu.memory_space<semaphore_mem>>)
    %mul3A_544 = arith.constant 2 : i32
    %mul3A_545 = arith.muli %add3A, %mul3A_544 : i32
    %add3A_546 = arith.constant 0 : i32
    %add3A_547 = arith.addi %mul3A_545, %add3A_546 : i32
    %sub3A_548 = arith.constant 255 : i32
    %sub3A_549 = arith.subi %sub3A_548, %add3A_547 : i32
    %dma_wait3A_550 = arith.constant 896 : i32
    %dma_wait3A_551 = arith.constant 0 : i32
    %dma_wait3A_552 = tpu.memref_slice %arg2[%sub3A_549, %dma_wait3A_550, %dma_wait3A_551] : memref<256x1024x192xf32, #tpu.memory_space<hbm>> -> memref<1x128x192xf32, #tpu.memory_space<hbm>>
    %dma_wait3A_553 = tpu.memref_squeeze %dma_wait3A_552 : memref<1x128x192xf32, #tpu.memory_space<hbm>> -> memref<128x192xf32, #tpu.memory_space<hbm>>
    %dma_wait3A_554 = arith.constant 896 : i32
    %dma_wait3A_555 = arith.constant 0 : i32
    %dma_wait3A_556 = tpu.memref_slice %arg2[%sub3A_549, %dma_wait3A_554, %dma_wait3A_555] : memref<256x1024x192xf32, #tpu.memory_space<hbm>> -> memref<1x128x192xf32, #tpu.memory_space<hbm>>
    %dma_wait3A_557 = tpu.memref_squeeze %dma_wait3A_556 : memref<1x128x192xf32, #tpu.memory_space<hbm>> -> memref<128x192xf32, #tpu.memory_space<hbm>>
    tpu.wait_dma2 semaphore(%arg11 : memref<!tpu.dma_semaphore, #tpu.memory_space<semaphore_mem>>) src(%dma_wait3A_557 : memref<128x192xf32, #tpu.memory_space<hbm>>) dst(%arg7 : memref<128x192xf32, #tpu.memory_space<vmem>>)
    %mul3A_558 = arith.constant 2 : i32
    %mul3A_559 = arith.muli %add3A, %mul3A_558 : i32
    %add3A_560 = arith.constant 0 : i32
    %add3A_561 = arith.addi %mul3A_559, %add3A_560 : i32
    %sub3A_562 = arith.constant 255 : i32
    %sub3A_563 = arith.subi %sub3A_562, %add3A_561 : i32
    %dma_start3A_564 = arith.constant 896 : i32
    %dma_start3A_565 = arith.constant 0 : i32
    %dma_start3A_566 = tpu.memref_slice %arg3[%add3A_561, %dma_start3A_564, %dma_start3A_565] : memref<64x1024x192xf32, #tpu.memory_space<hbm>> -> memref<1x128x192xf32, #tpu.memory_space<hbm>>
    %dma_start3A_567 = tpu.memref_squeeze %dma_start3A_566 : memref<1x128x192xf32, #tpu.memory_space<hbm>> -> memref<128x192xf32, #tpu.memory_space<hbm>>
    %dma_start3A_568 = arith.constant 896 : i32
    %dma_start3A_569 = arith.constant 0 : i32
    %dma_start3A_570 = tpu.memref_slice %arg3[%add3A_561, %dma_start3A_568, %dma_start3A_569] : memref<64x1024x192xf32, #tpu.memory_space<hbm>> -> memref<1x128x192xf32, #tpu.memory_space<hbm>>
    %dma_start3A_571 = tpu.memref_squeeze %dma_start3A_570 : memref<1x128x192xf32, #tpu.memory_space<hbm>> -> memref<128x192xf32, #tpu.memory_space<hbm>>
    tpu.enqueue_dma source(%arg7 : memref<128x192xf32, #tpu.memory_space<vmem>>) target(%dma_start3A_571 : memref<128x192xf32, #tpu.memory_space<hbm>>) target_semaphore(%arg14 : memref<!tpu.dma_semaphore, #tpu.memory_space<semaphore_mem>>)
    %mul3A_572 = arith.constant 2 : i32
    %mul3A_573 = arith.muli %add3A, %mul3A_572 : i32
    %add3A_574 = arith.constant 0 : i32
    %add3A_575 = arith.addi %mul3A_573, %add3A_574 : i32
    %sub3A_576 = arith.constant 255 : i32
    %sub3A_577 = arith.subi %sub3A_576, %add3A_575 : i32
    %dma_wait3A_578 = arith.constant 896 : i32
    %dma_wait3A_579 = arith.constant 0 : i32
    %dma_wait3A_580 = tpu.memref_slice %arg3[%add3A_575, %dma_wait3A_578, %dma_wait3A_579] : memref<64x1024x192xf32, #tpu.memory_space<hbm>> -> memref<1x128x192xf32, #tpu.memory_space<hbm>>
    %dma_wait3A_581 = tpu.memref_squeeze %dma_wait3A_580 : memref<1x128x192xf32, #tpu.memory_space<hbm>> -> memref<128x192xf32, #tpu.memory_space<hbm>>
    %dma_wait3A_582 = arith.constant 896 : i32
    %dma_wait3A_583 = arith.constant 0 : i32
    %dma_wait3A_584 = tpu.memref_slice %arg3[%add3A_575, %dma_wait3A_582, %dma_wait3A_583] : memref<64x1024x192xf32, #tpu.memory_space<hbm>> -> memref<1x128x192xf32, #tpu.memory_space<hbm>>
    %dma_wait3A_585 = tpu.memref_squeeze %dma_wait3A_584 : memref<1x128x192xf32, #tpu.memory_space<hbm>> -> memref<128x192xf32, #tpu.memory_space<hbm>>
    tpu.wait_dma2 semaphore(%arg14 : memref<!tpu.dma_semaphore, #tpu.memory_space<semaphore_mem>>) src(%arg7 : memref<128x192xf32, #tpu.memory_space<vmem>>) dst(%dma_wait3A_585 : memref<128x192xf32, #tpu.memory_space<hbm>>)
    %mul3A_586 = arith.constant 2 : i32
    %mul3A_587 = arith.muli %add3A, %mul3A_586 : i32
    %add3A_588 = arith.constant 1 : i32
    %add3A_589 = arith.addi %mul3A_587, %add3A_588 : i32
    %sub3A_590 = arith.constant 255 : i32
    %sub3A_591 = arith.subi %sub3A_590, %add3A_589 : i32
    %dma_start3A_592 = arith.constant 256 : i32
    %dma_start3A_593 = arith.constant 0 : i32
    %dma_start3A_594 = tpu.memref_slice %arg2[%sub3A_591, %dma_start3A_592, %dma_start3A_593] : memref<256x1024x192xf32, #tpu.memory_space<hbm>> -> memref<1x128x192xf32, #tpu.memory_space<hbm>>
    %dma_start3A_595 = tpu.memref_squeeze %dma_start3A_594 : memref<1x128x192xf32, #tpu.memory_space<hbm>> -> memref<128x192xf32, #tpu.memory_space<hbm>>
    %dma_start3A_596 = arith.constant 256 : i32
    %dma_start3A_597 = arith.constant 0 : i32
    %dma_start3A_598 = tpu.memref_slice %arg2[%sub3A_591, %dma_start3A_596, %dma_start3A_597] : memref<256x1024x192xf32, #tpu.memory_space<hbm>> -> memref<1x128x192xf32, #tpu.memory_space<hbm>>
    %dma_start3A_599 = tpu.memref_squeeze %dma_start3A_598 : memref<1x128x192xf32, #tpu.memory_space<hbm>> -> memref<128x192xf32, #tpu.memory_space<hbm>>
    tpu.enqueue_dma source(%dma_start3A_599 : memref<128x192xf32, #tpu.memory_space<hbm>>) target(%arg7 : memref<128x192xf32, #tpu.memory_space<vmem>>) target_semaphore(%arg11 : memref<!tpu.dma_semaphore, #tpu.memory_space<semaphore_mem>>)
    %mul3A_600 = arith.constant 2 : i32
    %mul3A_601 = arith.muli %add3A, %mul3A_600 : i32
    %add3A_602 = arith.constant 1 : i32
    %add3A_603 = arith.addi %mul3A_601, %add3A_602 : i32
    %sub3A_604 = arith.constant 255 : i32
    %sub3A_605 = arith.subi %sub3A_604, %add3A_603 : i32
    %dma_wait3A_606 = arith.constant 0 : i32
    %dma_wait3A_607 = arith.constant 0 : i32
    %dma_wait3A_608 = tpu.memref_slice %arg2[%sub3A_605, %dma_wait3A_606, %dma_wait3A_607] : memref<256x1024x192xf32, #tpu.memory_space<hbm>> -> memref<1x128x192xf32, #tpu.memory_space<hbm>>
    %dma_wait3A_609 = tpu.memref_squeeze %dma_wait3A_608 : memref<1x128x192xf32, #tpu.memory_space<hbm>> -> memref<128x192xf32, #tpu.memory_space<hbm>>
    %dma_wait3A_610 = arith.constant 0 : i32
    %dma_wait3A_611 = arith.constant 0 : i32
    %dma_wait3A_612 = tpu.memref_slice %arg2[%sub3A_605, %dma_wait3A_610, %dma_wait3A_611] : memref<256x1024x192xf32, #tpu.memory_space<hbm>> -> memref<1x128x192xf32, #tpu.memory_space<hbm>>
    %dma_wait3A_613 = tpu.memref_squeeze %dma_wait3A_612 : memref<1x128x192xf32, #tpu.memory_space<hbm>> -> memref<128x192xf32, #tpu.memory_space<hbm>>
    tpu.wait_dma2 semaphore(%arg12 : memref<!tpu.dma_semaphore, #tpu.memory_space<semaphore_mem>>) src(%dma_wait3A_613 : memref<128x192xf32, #tpu.memory_space<hbm>>) dst(%arg8 : memref<128x192xf32, #tpu.memory_space<vmem>>)
    %mul3A_614 = arith.constant 2 : i32
    %mul3A_615 = arith.muli %add3A, %mul3A_614 : i32
    %add3A_616 = arith.constant 1 : i32
    %add3A_617 = arith.addi %mul3A_615, %add3A_616 : i32
    %sub3A_618 = arith.constant 255 : i32
    %sub3A_619 = arith.subi %sub3A_618, %add3A_617 : i32
    %dma_start3A_620 = arith.constant 0 : i32
    %dma_start3A_621 = arith.constant 0 : i32
    %dma_start3A_622 = tpu.memref_slice %arg3[%add3A_617, %dma_start3A_620, %dma_start3A_621] : memref<64x1024x192xf32, #tpu.memory_space<hbm>> -> memref<1x128x192xf32, #tpu.memory_space<hbm>>
    %dma_start3A_623 = tpu.memref_squeeze %dma_start3A_622 : memref<1x128x192xf32, #tpu.memory_space<hbm>> -> memref<128x192xf32, #tpu.memory_space<hbm>>
    %dma_start3A_624 = arith.constant 0 : i32
    %dma_start3A_625 = arith.constant 0 : i32
    %dma_start3A_626 = tpu.memref_slice %arg3[%add3A_617, %dma_start3A_624, %dma_start3A_625] : memref<64x1024x192xf32, #tpu.memory_space<hbm>> -> memref<1x128x192xf32, #tpu.memory_space<hbm>>
    %dma_start3A_627 = tpu.memref_squeeze %dma_start3A_626 : memref<1x128x192xf32, #tpu.memory_space<hbm>> -> memref<128x192xf32, #tpu.memory_space<hbm>>
    tpu.enqueue_dma source(%arg8 : memref<128x192xf32, #tpu.memory_space<vmem>>) target(%dma_start3A_627 : memref<128x192xf32, #tpu.memory_space<hbm>>) target_semaphore(%arg15 : memref<!tpu.dma_semaphore, #tpu.memory_space<semaphore_mem>>)
    %mul3A_628 = arith.constant 2 : i32
    %mul3A_629 = arith.muli %add3A, %mul3A_628 : i32
    %add3A_630 = arith.constant 1 : i32
    %add3A_631 = arith.addi %mul3A_629, %add3A_630 : i32
    %sub3A_632 = arith.constant 255 : i32
    %sub3A_633 = arith.subi %sub3A_632, %add3A_631 : i32
    %dma_wait3A_634 = arith.constant 0 : i32
    %dma_wait3A_635 = arith.constant 0 : i32
    %dma_wait3A_636 = tpu.memref_slice %arg3[%add3A_631, %dma_wait3A_634, %dma_wait3A_635] : memref<64x1024x192xf32, #tpu.memory_space<hbm>> -> memref<1x128x192xf32, #tpu.memory_space<hbm>>
    %dma_wait3A_637 = tpu.memref_squeeze %dma_wait3A_636 : memref<1x128x192xf32, #tpu.memory_space<hbm>> -> memref<128x192xf32, #tpu.memory_space<hbm>>
    %dma_wait3A_638 = arith.constant 0 : i32
    %dma_wait3A_639 = arith.constant 0 : i32
    %dma_wait3A_640 = tpu.memref_slice %arg3[%add3A_631, %dma_wait3A_638, %dma_wait3A_639] : memref<64x1024x192xf32, #tpu.memory_space<hbm>> -> memref<1x128x192xf32, #tpu.memory_space<hbm>>
    %dma_wait3A_641 = tpu.memref_squeeze %dma_wait3A_640 : memref<1x128x192xf32, #tpu.memory_space<hbm>> -> memref<128x192xf32, #tpu.memory_space<hbm>>
    tpu.wait_dma2 semaphore(%arg15 : memref<!tpu.dma_semaphore, #tpu.memory_space<semaphore_mem>>) src(%arg8 : memref<128x192xf32, #tpu.memory_space<vmem>>) dst(%dma_wait3A_641 : memref<128x192xf32, #tpu.memory_space<hbm>>)
    %mul3A_642 = arith.constant 2 : i32
    %mul3A_643 = arith.muli %add3A, %mul3A_642 : i32
    %add3A_644 = arith.constant 1 : i32
    %add3A_645 = arith.addi %mul3A_643, %add3A_644 : i32
    %sub3A_646 = arith.constant 255 : i32
    %sub3A_647 = arith.subi %sub3A_646, %add3A_645 : i32
    %dma_start3A_648 = arith.constant 384 : i32
    %dma_start3A_649 = arith.constant 0 : i32
    %dma_start3A_650 = tpu.memref_slice %arg2[%sub3A_647, %dma_start3A_648, %dma_start3A_649] : memref<256x1024x192xf32, #tpu.memory_space<hbm>> -> memref<1x128x192xf32, #tpu.memory_space<hbm>>
    %dma_start3A_651 = tpu.memref_squeeze %dma_start3A_650 : memref<1x128x192xf32, #tpu.memory_space<hbm>> -> memref<128x192xf32, #tpu.memory_space<hbm>>
    %dma_start3A_652 = arith.constant 384 : i32
    %dma_start3A_653 = arith.constant 0 : i32
    %dma_start3A_654 = tpu.memref_slice %arg2[%sub3A_647, %dma_start3A_652, %dma_start3A_653] : memref<256x1024x192xf32, #tpu.memory_space<hbm>> -> memref<1x128x192xf32, #tpu.memory_space<hbm>>
    %dma_start3A_655 = tpu.memref_squeeze %dma_start3A_654 : memref<1x128x192xf32, #tpu.memory_space<hbm>> -> memref<128x192xf32, #tpu.memory_space<hbm>>
    tpu.enqueue_dma source(%dma_start3A_655 : memref<128x192xf32, #tpu.memory_space<hbm>>) target(%arg8 : memref<128x192xf32, #tpu.memory_space<vmem>>) target_semaphore(%arg12 : memref<!tpu.dma_semaphore, #tpu.memory_space<semaphore_mem>>)
    %mul3A_656 = arith.constant 2 : i32
    %mul3A_657 = arith.muli %add3A, %mul3A_656 : i32
    %add3A_658 = arith.constant 1 : i32
    %add3A_659 = arith.addi %mul3A_657, %add3A_658 : i32
    %sub3A_660 = arith.constant 255 : i32
    %sub3A_661 = arith.subi %sub3A_660, %add3A_659 : i32
    %dma_wait3A_662 = arith.constant 128 : i32
    %dma_wait3A_663 = arith.constant 0 : i32
    %dma_wait3A_664 = tpu.memref_slice %arg2[%sub3A_661, %dma_wait3A_662, %dma_wait3A_663] : memref<256x1024x192xf32, #tpu.memory_space<hbm>> -> memref<1x128x192xf32, #tpu.memory_space<hbm>>
    %dma_wait3A_665 = tpu.memref_squeeze %dma_wait3A_664 : memref<1x128x192xf32, #tpu.memory_space<hbm>> -> memref<128x192xf32, #tpu.memory_space<hbm>>
    %dma_wait3A_666 = arith.constant 128 : i32
    %dma_wait3A_667 = arith.constant 0 : i32
    %dma_wait3A_668 = tpu.memref_slice %arg2[%sub3A_661, %dma_wait3A_666, %dma_wait3A_667] : memref<256x1024x192xf32, #tpu.memory_space<hbm>> -> memref<1x128x192xf32, #tpu.memory_space<hbm>>
    %dma_wait3A_669 = tpu.memref_squeeze %dma_wait3A_668 : memref<1x128x192xf32, #tpu.memory_space<hbm>> -> memref<128x192xf32, #tpu.memory_space<hbm>>
    tpu.wait_dma2 semaphore(%arg10 : memref<!tpu.dma_semaphore, #tpu.memory_space<semaphore_mem>>) src(%dma_wait3A_669 : memref<128x192xf32, #tpu.memory_space<hbm>>) dst(%arg6 : memref<128x192xf32, #tpu.memory_space<vmem>>)
    %mul3A_670 = arith.constant 2 : i32
    %mul3A_671 = arith.muli %add3A, %mul3A_670 : i32
    %add3A_672 = arith.constant 1 : i32
    %add3A_673 = arith.addi %mul3A_671, %add3A_672 : i32
    %sub3A_674 = arith.constant 255 : i32
    %sub3A_675 = arith.subi %sub3A_674, %add3A_673 : i32
    %dma_start3A_676 = arith.constant 128 : i32
    %dma_start3A_677 = arith.constant 0 : i32
    %dma_start3A_678 = tpu.memref_slice %arg3[%add3A_673, %dma_start3A_676, %dma_start3A_677] : memref<64x1024x192xf32, #tpu.memory_space<hbm>> -> memref<1x128x192xf32, #tpu.memory_space<hbm>>
    %dma_start3A_679 = tpu.memref_squeeze %dma_start3A_678 : memref<1x128x192xf32, #tpu.memory_space<hbm>> -> memref<128x192xf32, #tpu.memory_space<hbm>>
    %dma_start3A_680 = arith.constant 128 : i32
    %dma_start3A_681 = arith.constant 0 : i32
    %dma_start3A_682 = tpu.memref_slice %arg3[%add3A_673, %dma_start3A_680, %dma_start3A_681] : memref<64x1024x192xf32, #tpu.memory_space<hbm>> -> memref<1x128x192xf32, #tpu.memory_space<hbm>>
    %dma_start3A_683 = tpu.memref_squeeze %dma_start3A_682 : memref<1x128x192xf32, #tpu.memory_space<hbm>> -> memref<128x192xf32, #tpu.memory_space<hbm>>
    tpu.enqueue_dma source(%arg6 : memref<128x192xf32, #tpu.memory_space<vmem>>) target(%dma_start3A_683 : memref<128x192xf32, #tpu.memory_space<hbm>>) target_semaphore(%arg13 : memref<!tpu.dma_semaphore, #tpu.memory_space<semaphore_mem>>)
    %mul3A_684 = arith.constant 2 : i32
    %mul3A_685 = arith.muli %add3A, %mul3A_684 : i32
    %add3A_686 = arith.constant 1 : i32
    %add3A_687 = arith.addi %mul3A_685, %add3A_686 : i32
    %sub3A_688 = arith.constant 255 : i32
    %sub3A_689 = arith.subi %sub3A_688, %add3A_687 : i32
    %dma_wait3A_690 = arith.constant 128 : i32
    %dma_wait3A_691 = arith.constant 0 : i32
    %dma_wait3A_692 = tpu.memref_slice %arg3[%add3A_687, %dma_wait3A_690, %dma_wait3A_691] : memref<64x1024x192xf32, #tpu.memory_space<hbm>> -> memref<1x128x192xf32, #tpu.memory_space<hbm>>
    %dma_wait3A_693 = tpu.memref_squeeze %dma_wait3A_692 : memref<1x128x192xf32, #tpu.memory_space<hbm>> -> memref<128x192xf32, #tpu.memory_space<hbm>>
    %dma_wait3A_694 = arith.constant 128 : i32
    %dma_wait3A_695 = arith.constant 0 : i32
    %dma_wait3A_696 = tpu.memref_slice %arg3[%add3A_687, %dma_wait3A_694, %dma_wait3A_695] : memref<64x1024x192xf32, #tpu.memory_space<hbm>> -> memref<1x128x192xf32, #tpu.memory_space<hbm>>
    %dma_wait3A_697 = tpu.memref_squeeze %dma_wait3A_696 : memref<1x128x192xf32, #tpu.memory_space<hbm>> -> memref<128x192xf32, #tpu.memory_space<hbm>>
    tpu.wait_dma2 semaphore(%arg13 : memref<!tpu.dma_semaphore, #tpu.memory_space<semaphore_mem>>) src(%arg6 : memref<128x192xf32, #tpu.memory_space<vmem>>) dst(%dma_wait3A_697 : memref<128x192xf32, #tpu.memory_space<hbm>>)
    %mul3A_698 = arith.constant 2 : i32
    %mul3A_699 = arith.muli %add3A, %mul3A_698 : i32
    %add3A_700 = arith.constant 1 : i32
    %add3A_701 = arith.addi %mul3A_699, %add3A_700 : i32
    %sub3A_702 = arith.constant 255 : i32
    %sub3A_703 = arith.subi %sub3A_702, %add3A_701 : i32
    %dma_start3A_704 = arith.constant 512 : i32
    %dma_start3A_705 = arith.constant 0 : i32
    %dma_start3A_706 = tpu.memref_slice %arg2[%sub3A_703, %dma_start3A_704, %dma_start3A_705] : memref<256x1024x192xf32, #tpu.memory_space<hbm>> -> memref<1x128x192xf32, #tpu.memory_space<hbm>>
    %dma_start3A_707 = tpu.memref_squeeze %dma_start3A_706 : memref<1x128x192xf32, #tpu.memory_space<hbm>> -> memref<128x192xf32, #tpu.memory_space<hbm>>
    %dma_start3A_708 = arith.constant 512 : i32
    %dma_start3A_709 = arith.constant 0 : i32
    %dma_start3A_710 = tpu.memref_slice %arg2[%sub3A_703, %dma_start3A_708, %dma_start3A_709] : memref<256x1024x192xf32, #tpu.memory_space<hbm>> -> memref<1x128x192xf32, #tpu.memory_space<hbm>>
    %dma_start3A_711 = tpu.memref_squeeze %dma_start3A_710 : memref<1x128x192xf32, #tpu.memory_space<hbm>> -> memref<128x192xf32, #tpu.memory_space<hbm>>
    tpu.enqueue_dma source(%dma_start3A_711 : memref<128x192xf32, #tpu.memory_space<hbm>>) target(%arg6 : memref<128x192xf32, #tpu.memory_space<vmem>>) target_semaphore(%arg10 : memref<!tpu.dma_semaphore, #tpu.memory_space<semaphore_mem>>)
    %mul3A_712 = arith.constant 2 : i32
    %mul3A_713 = arith.muli %add3A, %mul3A_712 : i32
    %add3A_714 = arith.constant 1 : i32
    %add3A_715 = arith.addi %mul3A_713, %add3A_714 : i32
    %sub3A_716 = arith.constant 255 : i32
    %sub3A_717 = arith.subi %sub3A_716, %add3A_715 : i32
    %dma_wait3A_718 = arith.constant 256 : i32
    %dma_wait3A_719 = arith.constant 0 : i32
    %dma_wait3A_720 = tpu.memref_slice %arg2[%sub3A_717, %dma_wait3A_718, %dma_wait3A_719] : memref<256x1024x192xf32, #tpu.memory_space<hbm>> -> memref<1x128x192xf32, #tpu.memory_space<hbm>>
    %dma_wait3A_721 = tpu.memref_squeeze %dma_wait3A_720 : memref<1x128x192xf32, #tpu.memory_space<hbm>> -> memref<128x192xf32, #tpu.memory_space<hbm>>
    %dma_wait3A_722 = arith.constant 256 : i32
    %dma_wait3A_723 = arith.constant 0 : i32
    %dma_wait3A_724 = tpu.memref_slice %arg2[%sub3A_717, %dma_wait3A_722, %dma_wait3A_723] : memref<256x1024x192xf32, #tpu.memory_space<hbm>> -> memref<1x128x192xf32, #tpu.memory_space<hbm>>
    %dma_wait3A_725 = tpu.memref_squeeze %dma_wait3A_724 : memref<1x128x192xf32, #tpu.memory_space<hbm>> -> memref<128x192xf32, #tpu.memory_space<hbm>>
    tpu.wait_dma2 semaphore(%arg11 : memref<!tpu.dma_semaphore, #tpu.memory_space<semaphore_mem>>) src(%dma_wait3A_725 : memref<128x192xf32, #tpu.memory_space<hbm>>) dst(%arg7 : memref<128x192xf32, #tpu.memory_space<vmem>>)
    %mul3A_726 = arith.constant 2 : i32
    %mul3A_727 = arith.muli %add3A, %mul3A_726 : i32
    %add3A_728 = arith.constant 1 : i32
    %add3A_729 = arith.addi %mul3A_727, %add3A_728 : i32
    %sub3A_730 = arith.constant 255 : i32
    %sub3A_731 = arith.subi %sub3A_730, %add3A_729 : i32
    %dma_start3A_732 = arith.constant 256 : i32
    %dma_start3A_733 = arith.constant 0 : i32
    %dma_start3A_734 = tpu.memref_slice %arg3[%add3A_729, %dma_start3A_732, %dma_start3A_733] : memref<64x1024x192xf32, #tpu.memory_space<hbm>> -> memref<1x128x192xf32, #tpu.memory_space<hbm>>
    %dma_start3A_735 = tpu.memref_squeeze %dma_start3A_734 : memref<1x128x192xf32, #tpu.memory_space<hbm>> -> memref<128x192xf32, #tpu.memory_space<hbm>>
    %dma_start3A_736 = arith.constant 256 : i32
    %dma_start3A_737 = arith.constant 0 : i32
    %dma_start3A_738 = tpu.memref_slice %arg3[%add3A_729, %dma_start3A_736, %dma_start3A_737] : memref<64x1024x192xf32, #tpu.memory_space<hbm>> -> memref<1x128x192xf32, #tpu.memory_space<hbm>>
    %dma_start3A_739 = tpu.memref_squeeze %dma_start3A_738 : memref<1x128x192xf32, #tpu.memory_space<hbm>> -> memref<128x192xf32, #tpu.memory_space<hbm>>
    tpu.enqueue_dma source(%arg7 : memref<128x192xf32, #tpu.memory_space<vmem>>) target(%dma_start3A_739 : memref<128x192xf32, #tpu.memory_space<hbm>>) target_semaphore(%arg14 : memref<!tpu.dma_semaphore, #tpu.memory_space<semaphore_mem>>)
    %mul3A_740 = arith.constant 2 : i32
    %mul3A_741 = arith.muli %add3A, %mul3A_740 : i32
    %add3A_742 = arith.constant 1 : i32
    %add3A_743 = arith.addi %mul3A_741, %add3A_742 : i32
    %sub3A_744 = arith.constant 255 : i32
    %sub3A_745 = arith.subi %sub3A_744, %add3A_743 : i32
    %dma_wait3A_746 = arith.constant 256 : i32
    %dma_wait3A_747 = arith.constant 0 : i32
    %dma_wait3A_748 = tpu.memref_slice %arg3[%add3A_743, %dma_wait3A_746, %dma_wait3A_747] : memref<64x1024x192xf32, #tpu.memory_space<hbm>> -> memref<1x128x192xf32, #tpu.memory_space<hbm>>
    %dma_wait3A_749 = tpu.memref_squeeze %dma_wait3A_748 : memref<1x128x192xf32, #tpu.memory_space<hbm>> -> memref<128x192xf32, #tpu.memory_space<hbm>>
    %dma_wait3A_750 = arith.constant 256 : i32
    %dma_wait3A_751 = arith.constant 0 : i32
    %dma_wait3A_752 = tpu.memref_slice %arg3[%add3A_743, %dma_wait3A_750, %dma_wait3A_751] : memref<64x1024x192xf32, #tpu.memory_space<hbm>> -> memref<1x128x192xf32, #tpu.memory_space<hbm>>
    %dma_wait3A_753 = tpu.memref_squeeze %dma_wait3A_752 : memref<1x128x192xf32, #tpu.memory_space<hbm>> -> memref<128x192xf32, #tpu.memory_space<hbm>>
    tpu.wait_dma2 semaphore(%arg14 : memref<!tpu.dma_semaphore, #tpu.memory_space<semaphore_mem>>) src(%arg7 : memref<128x192xf32, #tpu.memory_space<vmem>>) dst(%dma_wait3A_753 : memref<128x192xf32, #tpu.memory_space<hbm>>)
    %mul3A_754 = arith.constant 2 : i32
    %mul3A_755 = arith.muli %add3A, %mul3A_754 : i32
    %add3A_756 = arith.constant 1 : i32
    %add3A_757 = arith.addi %mul3A_755, %add3A_756 : i32
    %sub3A_758 = arith.constant 255 : i32
    %sub3A_759 = arith.subi %sub3A_758, %add3A_757 : i32
    %dma_start3A_760 = arith.constant 640 : i32
    %dma_start3A_761 = arith.constant 0 : i32
    %dma_start3A_762 = tpu.memref_slice %arg2[%sub3A_759, %dma_start3A_760, %dma_start3A_761] : memref<256x1024x192xf32, #tpu.memory_space<hbm>> -> memref<1x128x192xf32, #tpu.memory_space<hbm>>
    %dma_start3A_763 = tpu.memref_squeeze %dma_start3A_762 : memref<1x128x192xf32, #tpu.memory_space<hbm>> -> memref<128x192xf32, #tpu.memory_space<hbm>>
    %dma_start3A_764 = arith.constant 640 : i32
    %dma_start3A_765 = arith.constant 0 : i32
    %dma_start3A_766 = tpu.memref_slice %arg2[%sub3A_759, %dma_start3A_764, %dma_start3A_765] : memref<256x1024x192xf32, #tpu.memory_space<hbm>> -> memref<1x128x192xf32, #tpu.memory_space<hbm>>
    %dma_start3A_767 = tpu.memref_squeeze %dma_start3A_766 : memref<1x128x192xf32, #tpu.memory_space<hbm>> -> memref<128x192xf32, #tpu.memory_space<hbm>>
    tpu.enqueue_dma source(%dma_start3A_767 : memref<128x192xf32, #tpu.memory_space<hbm>>) target(%arg7 : memref<128x192xf32, #tpu.memory_space<vmem>>) target_semaphore(%arg11 : memref<!tpu.dma_semaphore, #tpu.memory_space<semaphore_mem>>)
    %mul3A_768 = arith.constant 2 : i32
    %mul3A_769 = arith.muli %add3A, %mul3A_768 : i32
    %add3A_770 = arith.constant 1 : i32
    %add3A_771 = arith.addi %mul3A_769, %add3A_770 : i32
    %sub3A_772 = arith.constant 255 : i32
    %sub3A_773 = arith.subi %sub3A_772, %add3A_771 : i32
    %dma_wait3A_774 = arith.constant 384 : i32
    %dma_wait3A_775 = arith.constant 0 : i32
    %dma_wait3A_776 = tpu.memref_slice %arg2[%sub3A_773, %dma_wait3A_774, %dma_wait3A_775] : memref<256x1024x192xf32, #tpu.memory_space<hbm>> -> memref<1x128x192xf32, #tpu.memory_space<hbm>>
    %dma_wait3A_777 = tpu.memref_squeeze %dma_wait3A_776 : memref<1x128x192xf32, #tpu.memory_space<hbm>> -> memref<128x192xf32, #tpu.memory_space<hbm>>
    %dma_wait3A_778 = arith.constant 384 : i32
    %dma_wait3A_779 = arith.constant 0 : i32
    %dma_wait3A_780 = tpu.memref_slice %arg2[%sub3A_773, %dma_wait3A_778, %dma_wait3A_779] : memref<256x1024x192xf32, #tpu.memory_space<hbm>> -> memref<1x128x192xf32, #tpu.memory_space<hbm>>
    %dma_wait3A_781 = tpu.memref_squeeze %dma_wait3A_780 : memref<1x128x192xf32, #tpu.memory_space<hbm>> -> memref<128x192xf32, #tpu.memory_space<hbm>>
    tpu.wait_dma2 semaphore(%arg12 : memref<!tpu.dma_semaphore, #tpu.memory_space<semaphore_mem>>) src(%dma_wait3A_781 : memref<128x192xf32, #tpu.memory_space<hbm>>) dst(%arg8 : memref<128x192xf32, #tpu.memory_space<vmem>>)
    %mul3A_782 = arith.constant 2 : i32
    %mul3A_783 = arith.muli %add3A, %mul3A_782 : i32
    %add3A_784 = arith.constant 1 : i32
    %add3A_785 = arith.addi %mul3A_783, %add3A_784 : i32
    %sub3A_786 = arith.constant 255 : i32
    %sub3A_787 = arith.subi %sub3A_786, %add3A_785 : i32
    %dma_start3A_788 = arith.constant 384 : i32
    %dma_start3A_789 = arith.constant 0 : i32
    %dma_start3A_790 = tpu.memref_slice %arg3[%add3A_785, %dma_start3A_788, %dma_start3A_789] : memref<64x1024x192xf32, #tpu.memory_space<hbm>> -> memref<1x128x192xf32, #tpu.memory_space<hbm>>
    %dma_start3A_791 = tpu.memref_squeeze %dma_start3A_790 : memref<1x128x192xf32, #tpu.memory_space<hbm>> -> memref<128x192xf32, #tpu.memory_space<hbm>>
    %dma_start3A_792 = arith.constant 384 : i32
    %dma_start3A_793 = arith.constant 0 : i32
    %dma_start3A_794 = tpu.memref_slice %arg3[%add3A_785, %dma_start3A_792, %dma_start3A_793] : memref<64x1024x192xf32, #tpu.memory_space<hbm>> -> memref<1x128x192xf32, #tpu.memory_space<hbm>>
    %dma_start3A_795 = tpu.memref_squeeze %dma_start3A_794 : memref<1x128x192xf32, #tpu.memory_space<hbm>> -> memref<128x192xf32, #tpu.memory_space<hbm>>
    tpu.enqueue_dma source(%arg8 : memref<128x192xf32, #tpu.memory_space<vmem>>) target(%dma_start3A_795 : memref<128x192xf32, #tpu.memory_space<hbm>>) target_semaphore(%arg15 : memref<!tpu.dma_semaphore, #tpu.memory_space<semaphore_mem>>)
    %mul3A_796 = arith.constant 2 : i32
    %mul3A_797 = arith.muli %add3A, %mul3A_796 : i32
    %add3A_798 = arith.constant 1 : i32
    %add3A_799 = arith.addi %mul3A_797, %add3A_798 : i32
    %sub3A_800 = arith.constant 255 : i32
    %sub3A_801 = arith.subi %sub3A_800, %add3A_799 : i32
    %dma_wait3A_802 = arith.constant 384 : i32
    %dma_wait3A_803 = arith.constant 0 : i32
    %dma_wait3A_804 = tpu.memref_slice %arg3[%add3A_799, %dma_wait3A_802, %dma_wait3A_803] : memref<64x1024x192xf32, #tpu.memory_space<hbm>> -> memref<1x128x192xf32, #tpu.memory_space<hbm>>
    %dma_wait3A_805 = tpu.memref_squeeze %dma_wait3A_804 : memref<1x128x192xf32, #tpu.memory_space<hbm>> -> memref<128x192xf32, #tpu.memory_space<hbm>>
    %dma_wait3A_806 = arith.constant 384 : i32
    %dma_wait3A_807 = arith.constant 0 : i32
    %dma_wait3A_808 = tpu.memref_slice %arg3[%add3A_799, %dma_wait3A_806, %dma_wait3A_807] : memref<64x1024x192xf32, #tpu.memory_space<hbm>> -> memref<1x128x192xf32, #tpu.memory_space<hbm>>
    %dma_wait3A_809 = tpu.memref_squeeze %dma_wait3A_808 : memref<1x128x192xf32, #tpu.memory_space<hbm>> -> memref<128x192xf32, #tpu.memory_space<hbm>>
    tpu.wait_dma2 semaphore(%arg15 : memref<!tpu.dma_semaphore, #tpu.memory_space<semaphore_mem>>) src(%arg8 : memref<128x192xf32, #tpu.memory_space<vmem>>) dst(%dma_wait3A_809 : memref<128x192xf32, #tpu.memory_space<hbm>>)
    %mul3A_810 = arith.constant 2 : i32
    %mul3A_811 = arith.muli %add3A, %mul3A_810 : i32
    %add3A_812 = arith.constant 1 : i32
    %add3A_813 = arith.addi %mul3A_811, %add3A_812 : i32
    %sub3A_814 = arith.constant 255 : i32
    %sub3A_815 = arith.subi %sub3A_814, %add3A_813 : i32
    %dma_start3A_816 = arith.constant 768 : i32
    %dma_start3A_817 = arith.constant 0 : i32
    %dma_start3A_818 = tpu.memref_slice %arg2[%sub3A_815, %dma_start3A_816, %dma_start3A_817] : memref<256x1024x192xf32, #tpu.memory_space<hbm>> -> memref<1x128x192xf32, #tpu.memory_space<hbm>>
    %dma_start3A_819 = tpu.memref_squeeze %dma_start3A_818 : memref<1x128x192xf32, #tpu.memory_space<hbm>> -> memref<128x192xf32, #tpu.memory_space<hbm>>
    %dma_start3A_820 = arith.constant 768 : i32
    %dma_start3A_821 = arith.constant 0 : i32
    %dma_start3A_822 = tpu.memref_slice %arg2[%sub3A_815, %dma_start3A_820, %dma_start3A_821] : memref<256x1024x192xf32, #tpu.memory_space<hbm>> -> memref<1x128x192xf32, #tpu.memory_space<hbm>>
    %dma_start3A_823 = tpu.memref_squeeze %dma_start3A_822 : memref<1x128x192xf32, #tpu.memory_space<hbm>> -> memref<128x192xf32, #tpu.memory_space<hbm>>
    tpu.enqueue_dma source(%dma_start3A_823 : memref<128x192xf32, #tpu.memory_space<hbm>>) target(%arg8 : memref<128x192xf32, #tpu.memory_space<vmem>>) target_semaphore(%arg12 : memref<!tpu.dma_semaphore, #tpu.memory_space<semaphore_mem>>)
    %mul3A_824 = arith.constant 2 : i32
    %mul3A_825 = arith.muli %add3A, %mul3A_824 : i32
    %add3A_826 = arith.constant 1 : i32
    %add3A_827 = arith.addi %mul3A_825, %add3A_826 : i32
    %sub3A_828 = arith.constant 255 : i32
    %sub3A_829 = arith.subi %sub3A_828, %add3A_827 : i32
    %dma_wait3A_830 = arith.constant 512 : i32
    %dma_wait3A_831 = arith.constant 0 : i32
    %dma_wait3A_832 = tpu.memref_slice %arg2[%sub3A_829, %dma_wait3A_830, %dma_wait3A_831] : memref<256x1024x192xf32, #tpu.memory_space<hbm>> -> memref<1x128x192xf32, #tpu.memory_space<hbm>>
    %dma_wait3A_833 = tpu.memref_squeeze %dma_wait3A_832 : memref<1x128x192xf32, #tpu.memory_space<hbm>> -> memref<128x192xf32, #tpu.memory_space<hbm>>
    %dma_wait3A_834 = arith.constant 512 : i32
    %dma_wait3A_835 = arith.constant 0 : i32
    %dma_wait3A_836 = tpu.memref_slice %arg2[%sub3A_829, %dma_wait3A_834, %dma_wait3A_835] : memref<256x1024x192xf32, #tpu.memory_space<hbm>> -> memref<1x128x192xf32, #tpu.memory_space<hbm>>
    %dma_wait3A_837 = tpu.memref_squeeze %dma_wait3A_836 : memref<1x128x192xf32, #tpu.memory_space<hbm>> -> memref<128x192xf32, #tpu.memory_space<hbm>>
    tpu.wait_dma2 semaphore(%arg10 : memref<!tpu.dma_semaphore, #tpu.memory_space<semaphore_mem>>) src(%dma_wait3A_837 : memref<128x192xf32, #tpu.memory_space<hbm>>) dst(%arg6 : memref<128x192xf32, #tpu.memory_space<vmem>>)
    %mul3A_838 = arith.constant 2 : i32
    %mul3A_839 = arith.muli %add3A, %mul3A_838 : i32
    %add3A_840 = arith.constant 1 : i32
    %add3A_841 = arith.addi %mul3A_839, %add3A_840 : i32
    %sub3A_842 = arith.constant 255 : i32
    %sub3A_843 = arith.subi %sub3A_842, %add3A_841 : i32
    %dma_start3A_844 = arith.constant 512 : i32
    %dma_start3A_845 = arith.constant 0 : i32
    %dma_start3A_846 = tpu.memref_slice %arg3[%add3A_841, %dma_start3A_844, %dma_start3A_845] : memref<64x1024x192xf32, #tpu.memory_space<hbm>> -> memref<1x128x192xf32, #tpu.memory_space<hbm>>
    %dma_start3A_847 = tpu.memref_squeeze %dma_start3A_846 : memref<1x128x192xf32, #tpu.memory_space<hbm>> -> memref<128x192xf32, #tpu.memory_space<hbm>>
    %dma_start3A_848 = arith.constant 512 : i32
    %dma_start3A_849 = arith.constant 0 : i32
    %dma_start3A_850 = tpu.memref_slice %arg3[%add3A_841, %dma_start3A_848, %dma_start3A_849] : memref<64x1024x192xf32, #tpu.memory_space<hbm>> -> memref<1x128x192xf32, #tpu.memory_space<hbm>>
    %dma_start3A_851 = tpu.memref_squeeze %dma_start3A_850 : memref<1x128x192xf32, #tpu.memory_space<hbm>> -> memref<128x192xf32, #tpu.memory_space<hbm>>
    tpu.enqueue_dma source(%arg6 : memref<128x192xf32, #tpu.memory_space<vmem>>) target(%dma_start3A_851 : memref<128x192xf32, #tpu.memory_space<hbm>>) target_semaphore(%arg13 : memref<!tpu.dma_semaphore, #tpu.memory_space<semaphore_mem>>)
    %mul3A_852 = arith.constant 2 : i32
    %mul3A_853 = arith.muli %add3A, %mul3A_852 : i32
    %add3A_854 = arith.constant 1 : i32
    %add3A_855 = arith.addi %mul3A_853, %add3A_854 : i32
    %sub3A_856 = arith.constant 255 : i32
    %sub3A_857 = arith.subi %sub3A_856, %add3A_855 : i32
    %dma_wait3A_858 = arith.constant 512 : i32
    %dma_wait3A_859 = arith.constant 0 : i32
    %dma_wait3A_860 = tpu.memref_slice %arg3[%add3A_855, %dma_wait3A_858, %dma_wait3A_859] : memref<64x1024x192xf32, #tpu.memory_space<hbm>> -> memref<1x128x192xf32, #tpu.memory_space<hbm>>
    %dma_wait3A_861 = tpu.memref_squeeze %dma_wait3A_860 : memref<1x128x192xf32, #tpu.memory_space<hbm>> -> memref<128x192xf32, #tpu.memory_space<hbm>>
    %dma_wait3A_862 = arith.constant 512 : i32
    %dma_wait3A_863 = arith.constant 0 : i32
    %dma_wait3A_864 = tpu.memref_slice %arg3[%add3A_855, %dma_wait3A_862, %dma_wait3A_863] : memref<64x1024x192xf32, #tpu.memory_space<hbm>> -> memref<1x128x192xf32, #tpu.memory_space<hbm>>
    %dma_wait3A_865 = tpu.memref_squeeze %dma_wait3A_864 : memref<1x128x192xf32, #tpu.memory_space<hbm>> -> memref<128x192xf32, #tpu.memory_space<hbm>>
    tpu.wait_dma2 semaphore(%arg13 : memref<!tpu.dma_semaphore, #tpu.memory_space<semaphore_mem>>) src(%arg6 : memref<128x192xf32, #tpu.memory_space<vmem>>) dst(%dma_wait3A_865 : memref<128x192xf32, #tpu.memory_space<hbm>>)
    %mul3A_866 = arith.constant 2 : i32
    %mul3A_867 = arith.muli %add3A, %mul3A_866 : i32
    %add3A_868 = arith.constant 1 : i32
    %add3A_869 = arith.addi %mul3A_867, %add3A_868 : i32
    %sub3A_870 = arith.constant 255 : i32
    %sub3A_871 = arith.subi %sub3A_870, %add3A_869 : i32
    %dma_start3A_872 = arith.constant 896 : i32
    %dma_start3A_873 = arith.constant 0 : i32
    %dma_start3A_874 = tpu.memref_slice %arg2[%sub3A_871, %dma_start3A_872, %dma_start3A_873] : memref<256x1024x192xf32, #tpu.memory_space<hbm>> -> memref<1x128x192xf32, #tpu.memory_space<hbm>>
    %dma_start3A_875 = tpu.memref_squeeze %dma_start3A_874 : memref<1x128x192xf32, #tpu.memory_space<hbm>> -> memref<128x192xf32, #tpu.memory_space<hbm>>
    %dma_start3A_876 = arith.constant 896 : i32
    %dma_start3A_877 = arith.constant 0 : i32
    %dma_start3A_878 = tpu.memref_slice %arg2[%sub3A_871, %dma_start3A_876, %dma_start3A_877] : memref<256x1024x192xf32, #tpu.memory_space<hbm>> -> memref<1x128x192xf32, #tpu.memory_space<hbm>>
    %dma_start3A_879 = tpu.memref_squeeze %dma_start3A_878 : memref<1x128x192xf32, #tpu.memory_space<hbm>> -> memref<128x192xf32, #tpu.memory_space<hbm>>
    tpu.enqueue_dma source(%dma_start3A_879 : memref<128x192xf32, #tpu.memory_space<hbm>>) target(%arg6 : memref<128x192xf32, #tpu.memory_space<vmem>>) target_semaphore(%arg10 : memref<!tpu.dma_semaphore, #tpu.memory_space<semaphore_mem>>)
    %mul3A_880 = arith.constant 2 : i32
    %mul3A_881 = arith.muli %add3A, %mul3A_880 : i32
    %add3A_882 = arith.constant 1 : i32
    %add3A_883 = arith.addi %mul3A_881, %add3A_882 : i32
    %sub3A_884 = arith.constant 255 : i32
    %sub3A_885 = arith.subi %sub3A_884, %add3A_883 : i32
    %dma_wait3A_886 = arith.constant 640 : i32
    %dma_wait3A_887 = arith.constant 0 : i32
    %dma_wait3A_888 = tpu.memref_slice %arg2[%sub3A_885, %dma_wait3A_886, %dma_wait3A_887] : memref<256x1024x192xf32, #tpu.memory_space<hbm>> -> memref<1x128x192xf32, #tpu.memory_space<hbm>>
    %dma_wait3A_889 = tpu.memref_squeeze %dma_wait3A_888 : memref<1x128x192xf32, #tpu.memory_space<hbm>> -> memref<128x192xf32, #tpu.memory_space<hbm>>
    %dma_wait3A_890 = arith.constant 640 : i32
    %dma_wait3A_891 = arith.constant 0 : i32
    %dma_wait3A_892 = tpu.memref_slice %arg2[%sub3A_885, %dma_wait3A_890, %dma_wait3A_891] : memref<256x1024x192xf32, #tpu.memory_space<hbm>> -> memref<1x128x192xf32, #tpu.memory_space<hbm>>
    %dma_wait3A_893 = tpu.memref_squeeze %dma_wait3A_892 : memref<1x128x192xf32, #tpu.memory_space<hbm>> -> memref<128x192xf32, #tpu.memory_space<hbm>>
    tpu.wait_dma2 semaphore(%arg11 : memref<!tpu.dma_semaphore, #tpu.memory_space<semaphore_mem>>) src(%dma_wait3A_893 : memref<128x192xf32, #tpu.memory_space<hbm>>) dst(%arg7 : memref<128x192xf32, #tpu.memory_space<vmem>>)
    %mul3A_894 = arith.constant 2 : i32
    %mul3A_895 = arith.muli %add3A, %mul3A_894 : i32
    %add3A_896 = arith.constant 1 : i32
    %add3A_897 = arith.addi %mul3A_895, %add3A_896 : i32
    %sub3A_898 = arith.constant 255 : i32
    %sub3A_899 = arith.subi %sub3A_898, %add3A_897 : i32
    %dma_start3A_900 = arith.constant 640 : i32
    %dma_start3A_901 = arith.constant 0 : i32
    %dma_start3A_902 = tpu.memref_slice %arg3[%add3A_897, %dma_start3A_900, %dma_start3A_901] : memref<64x1024x192xf32, #tpu.memory_space<hbm>> -> memref<1x128x192xf32, #tpu.memory_space<hbm>>
    %dma_start3A_903 = tpu.memref_squeeze %dma_start3A_902 : memref<1x128x192xf32, #tpu.memory_space<hbm>> -> memref<128x192xf32, #tpu.memory_space<hbm>>
    %dma_start3A_904 = arith.constant 640 : i32
    %dma_start3A_905 = arith.constant 0 : i32
    %dma_start3A_906 = tpu.memref_slice %arg3[%add3A_897, %dma_start3A_904, %dma_start3A_905] : memref<64x1024x192xf32, #tpu.memory_space<hbm>> -> memref<1x128x192xf32, #tpu.memory_space<hbm>>
    %dma_start3A_907 = tpu.memref_squeeze %dma_start3A_906 : memref<1x128x192xf32, #tpu.memory_space<hbm>> -> memref<128x192xf32, #tpu.memory_space<hbm>>
    tpu.enqueue_dma source(%arg7 : memref<128x192xf32, #tpu.memory_space<vmem>>) target(%dma_start3A_907 : memref<128x192xf32, #tpu.memory_space<hbm>>) target_semaphore(%arg14 : memref<!tpu.dma_semaphore, #tpu.memory_space<semaphore_mem>>)
    %mul3A_908 = arith.constant 2 : i32
    %mul3A_909 = arith.muli %add3A, %mul3A_908 : i32
    %add3A_910 = arith.constant 1 : i32
    %add3A_911 = arith.addi %mul3A_909, %add3A_910 : i32
    %sub3A_912 = arith.constant 255 : i32
    %sub3A_913 = arith.subi %sub3A_912, %add3A_911 : i32
    %dma_wait3A_914 = arith.constant 768 : i32
    %dma_wait3A_915 = arith.constant 0 : i32
    %dma_wait3A_916 = tpu.memref_slice %arg2[%sub3A_913, %dma_wait3A_914, %dma_wait3A_915] : memref<256x1024x192xf32, #tpu.memory_space<hbm>> -> memref<1x128x192xf32, #tpu.memory_space<hbm>>
    %dma_wait3A_917 = tpu.memref_squeeze %dma_wait3A_916 : memref<1x128x192xf32, #tpu.memory_space<hbm>> -> memref<128x192xf32, #tpu.memory_space<hbm>>
    %dma_wait3A_918 = arith.constant 768 : i32
    %dma_wait3A_919 = arith.constant 0 : i32
    %dma_wait3A_920 = tpu.memref_slice %arg2[%sub3A_913, %dma_wait3A_918, %dma_wait3A_919] : memref<256x1024x192xf32, #tpu.memory_space<hbm>> -> memref<1x128x192xf32, #tpu.memory_space<hbm>>
    %dma_wait3A_921 = tpu.memref_squeeze %dma_wait3A_920 : memref<1x128x192xf32, #tpu.memory_space<hbm>> -> memref<128x192xf32, #tpu.memory_space<hbm>>
    tpu.wait_dma2 semaphore(%arg12 : memref<!tpu.dma_semaphore, #tpu.memory_space<semaphore_mem>>) src(%dma_wait3A_921 : memref<128x192xf32, #tpu.memory_space<hbm>>) dst(%arg8 : memref<128x192xf32, #tpu.memory_space<vmem>>)
    %mul3A_922 = arith.constant 2 : i32
    %mul3A_923 = arith.muli %add3A, %mul3A_922 : i32
    %add3A_924 = arith.constant 1 : i32
    %add3A_925 = arith.addi %mul3A_923, %add3A_924 : i32
    %sub3A_926 = arith.constant 255 : i32
    %sub3A_927 = arith.subi %sub3A_926, %add3A_925 : i32
    %dma_start3A_928 = arith.constant 768 : i32
    %dma_start3A_929 = arith.constant 0 : i32
    %dma_start3A_930 = tpu.memref_slice %arg3[%add3A_925, %dma_start3A_928, %dma_start3A_929] : memref<64x1024x192xf32, #tpu.memory_space<hbm>> -> memref<1x128x192xf32, #tpu.memory_space<hbm>>
    %dma_start3A_931 = tpu.memref_squeeze %dma_start3A_930 : memref<1x128x192xf32, #tpu.memory_space<hbm>> -> memref<128x192xf32, #tpu.memory_space<hbm>>
    %dma_start3A_932 = arith.constant 768 : i32
    %dma_start3A_933 = arith.constant 0 : i32
    %dma_start3A_934 = tpu.memref_slice %arg3[%add3A_925, %dma_start3A_932, %dma_start3A_933] : memref<64x1024x192xf32, #tpu.memory_space<hbm>> -> memref<1x128x192xf32, #tpu.memory_space<hbm>>
    %dma_start3A_935 = tpu.memref_squeeze %dma_start3A_934 : memref<1x128x192xf32, #tpu.memory_space<hbm>> -> memref<128x192xf32, #tpu.memory_space<hbm>>
    tpu.enqueue_dma source(%arg8 : memref<128x192xf32, #tpu.memory_space<vmem>>) target(%dma_start3A_935 : memref<128x192xf32, #tpu.memory_space<hbm>>) target_semaphore(%arg15 : memref<!tpu.dma_semaphore, #tpu.memory_space<semaphore_mem>>)
    %mul3A_936 = arith.constant 2 : i32
    %mul3A_937 = arith.muli %add3A, %mul3A_936 : i32
    %add3A_938 = arith.constant 1 : i32
    %add3A_939 = arith.addi %mul3A_937, %add3A_938 : i32
    %sub3A_940 = arith.constant 255 : i32
    %sub3A_941 = arith.subi %sub3A_940, %add3A_939 : i32
    %dma_wait3A_942 = arith.constant 896 : i32
    %dma_wait3A_943 = arith.constant 0 : i32
    %dma_wait3A_944 = tpu.memref_slice %arg2[%sub3A_941, %dma_wait3A_942, %dma_wait3A_943] : memref<256x1024x192xf32, #tpu.memory_space<hbm>> -> memref<1x128x192xf32, #tpu.memory_space<hbm>>
    %dma_wait3A_945 = tpu.memref_squeeze %dma_wait3A_944 : memref<1x128x192xf32, #tpu.memory_space<hbm>> -> memref<128x192xf32, #tpu.memory_space<hbm>>
    %dma_wait3A_946 = arith.constant 896 : i32
    %dma_wait3A_947 = arith.constant 0 : i32
    %dma_wait3A_948 = tpu.memref_slice %arg2[%sub3A_941, %dma_wait3A_946, %dma_wait3A_947] : memref<256x1024x192xf32, #tpu.memory_space<hbm>> -> memref<1x128x192xf32, #tpu.memory_space<hbm>>
    %dma_wait3A_949 = tpu.memref_squeeze %dma_wait3A_948 : memref<1x128x192xf32, #tpu.memory_space<hbm>> -> memref<128x192xf32, #tpu.memory_space<hbm>>
    tpu.wait_dma2 semaphore(%arg10 : memref<!tpu.dma_semaphore, #tpu.memory_space<semaphore_mem>>) src(%dma_wait3A_949 : memref<128x192xf32, #tpu.memory_space<hbm>>) dst(%arg6 : memref<128x192xf32, #tpu.memory_space<vmem>>)
    %mul3A_950 = arith.constant 2 : i32
    %mul3A_951 = arith.muli %add3A, %mul3A_950 : i32
    %add3A_952 = arith.constant 1 : i32
    %add3A_953 = arith.addi %mul3A_951, %add3A_952 : i32
    %sub3A_954 = arith.constant 255 : i32
    %sub3A_955 = arith.subi %sub3A_954, %add3A_953 : i32
    %dma_start3A_956 = arith.constant 896 : i32
    %dma_start3A_957 = arith.constant 0 : i32
    %dma_start3A_958 = tpu.memref_slice %arg3[%add3A_953, %dma_start3A_956, %dma_start3A_957] : memref<64x1024x192xf32, #tpu.memory_space<hbm>> -> memref<1x128x192xf32, #tpu.memory_space<hbm>>
    %dma_start3A_959 = tpu.memref_squeeze %dma_start3A_958 : memref<1x128x192xf32, #tpu.memory_space<hbm>> -> memref<128x192xf32, #tpu.memory_space<hbm>>
    %dma_start3A_960 = arith.constant 896 : i32
    %dma_start3A_961 = arith.constant 0 : i32
    %dma_start3A_962 = tpu.memref_slice %arg3[%add3A_953, %dma_start3A_960, %dma_start3A_961] : memref<64x1024x192xf32, #tpu.memory_space<hbm>> -> memref<1x128x192xf32, #tpu.memory_space<hbm>>
    %dma_start3A_963 = tpu.memref_squeeze %dma_start3A_962 : memref<1x128x192xf32, #tpu.memory_space<hbm>> -> memref<128x192xf32, #tpu.memory_space<hbm>>
    tpu.enqueue_dma source(%arg6 : memref<128x192xf32, #tpu.memory_space<vmem>>) target(%dma_start3A_963 : memref<128x192xf32, #tpu.memory_space<hbm>>) target_semaphore(%arg13 : memref<!tpu.dma_semaphore, #tpu.memory_space<semaphore_mem>>)
    %mul3A_964 = arith.constant 2 : i32
    %mul3A_965 = arith.muli %add3A, %mul3A_964 : i32
    %add3A_966 = arith.constant 1 : i32
    %add3A_967 = arith.addi %mul3A_965, %add3A_966 : i32
    %sub3A_968 = arith.constant 255 : i32
    %sub3A_969 = arith.subi %sub3A_968, %add3A_967 : i32
    %dma_wait3A_970 = arith.constant 640 : i32
    %dma_wait3A_971 = arith.constant 0 : i32
    %dma_wait3A_972 = tpu.memref_slice %arg3[%add3A_967, %dma_wait3A_970, %dma_wait3A_971] : memref<64x1024x192xf32, #tpu.memory_space<hbm>> -> memref<1x128x192xf32, #tpu.memory_space<hbm>>
    %dma_wait3A_973 = tpu.memref_squeeze %dma_wait3A_972 : memref<1x128x192xf32, #tpu.memory_space<hbm>> -> memref<128x192xf32, #tpu.memory_space<hbm>>
    %dma_wait3A_974 = arith.constant 640 : i32
    %dma_wait3A_975 = arith.constant 0 : i32
    %dma_wait3A_976 = tpu.memref_slice %arg3[%add3A_967, %dma_wait3A_974, %dma_wait3A_975] : memref<64x1024x192xf32, #tpu.memory_space<hbm>> -> memref<1x128x192xf32, #tpu.memory_space<hbm>>
    %dma_wait3A_977 = tpu.memref_squeeze %dma_wait3A_976 : memref<1x128x192xf32, #tpu.memory_space<hbm>> -> memref<128x192xf32, #tpu.memory_space<hbm>>
    tpu.wait_dma2 semaphore(%arg14 : memref<!tpu.dma_semaphore, #tpu.memory_space<semaphore_mem>>) src(%arg7 : memref<128x192xf32, #tpu.memory_space<vmem>>) dst(%dma_wait3A_977 : memref<128x192xf32, #tpu.memory_space<hbm>>)
    %mul3A_978 = arith.constant 2 : i32
    %mul3A_979 = arith.muli %add3A, %mul3A_978 : i32
    %add3A_980 = arith.constant 1 : i32
    %add3A_981 = arith.addi %mul3A_979, %add3A_980 : i32
    %sub3A_982 = arith.constant 255 : i32
    %sub3A_983 = arith.subi %sub3A_982, %add3A_981 : i32
    %dma_wait3A_984 = arith.constant 768 : i32
    %dma_wait3A_985 = arith.constant 0 : i32
    %dma_wait3A_986 = tpu.memref_slice %arg3[%add3A_981, %dma_wait3A_984, %dma_wait3A_985] : memref<64x1024x192xf32, #tpu.memory_space<hbm>> -> memref<1x128x192xf32, #tpu.memory_space<hbm>>
    %dma_wait3A_987 = tpu.memref_squeeze %dma_wait3A_986 : memref<1x128x192xf32, #tpu.memory_space<hbm>> -> memref<128x192xf32, #tpu.memory_space<hbm>>
    %dma_wait3A_988 = arith.constant 768 : i32
    %dma_wait3A_989 = arith.constant 0 : i32
    %dma_wait3A_990 = tpu.memref_slice %arg3[%add3A_981, %dma_wait3A_988, %dma_wait3A_989] : memref<64x1024x192xf32, #tpu.memory_space<hbm>> -> memref<1x128x192xf32, #tpu.memory_space<hbm>>
    %dma_wait3A_991 = tpu.memref_squeeze %dma_wait3A_990 : memref<1x128x192xf32, #tpu.memory_space<hbm>> -> memref<128x192xf32, #tpu.memory_space<hbm>>
    tpu.wait_dma2 semaphore(%arg15 : memref<!tpu.dma_semaphore, #tpu.memory_space<semaphore_mem>>) src(%arg8 : memref<128x192xf32, #tpu.memory_space<vmem>>) dst(%dma_wait3A_991 : memref<128x192xf32, #tpu.memory_space<hbm>>)
    %mul3A_992 = arith.constant 2 : i32
    %mul3A_993 = arith.muli %add3A, %mul3A_992 : i32
    %add3A_994 = arith.constant 1 : i32
    %add3A_995 = arith.addi %mul3A_993, %add3A_994 : i32
    %sub3A_996 = arith.constant 255 : i32
    %sub3A_997 = arith.subi %sub3A_996, %add3A_995 : i32
    %dma_wait3A_998 = arith.constant 896 : i32
    %dma_wait3A_999 = arith.constant 0 : i32
    %dma_wait3A_1000 = tpu.memref_slice %arg3[%add3A_995, %dma_wait3A_998, %dma_wait3A_999] : memref<64x1024x192xf32, #tpu.memory_space<hbm>> -> memref<1x128x192xf32, #tpu.memory_space<hbm>>
    %dma_wait3A_1001 = tpu.memref_squeeze %dma_wait3A_1000 : memref<1x128x192xf32, #tpu.memory_space<hbm>> -> memref<128x192xf32, #tpu.memory_space<hbm>>
    %dma_wait3A_1002 = arith.constant 896 : i32
    %dma_wait3A_1003 = arith.constant 0 : i32
    %dma_wait3A_1004 = tpu.memref_slice %arg3[%add3A_995, %dma_wait3A_1002, %dma_wait3A_1003] : memref<64x1024x192xf32, #tpu.memory_space<hbm>> -> memref<1x128x192xf32, #tpu.memory_space<hbm>>
    %dma_wait3A_1005 = tpu.memref_squeeze %dma_wait3A_1004 : memref<1x128x192xf32, #tpu.memory_space<hbm>> -> memref<128x192xf32, #tpu.memory_space<hbm>>
    tpu.wait_dma2 semaphore(%arg13 : memref<!tpu.dma_semaphore, #tpu.memory_space<semaphore_mem>>) src(%arg6 : memref<128x192xf32, #tpu.memory_space<vmem>>) dst(%dma_wait3A_1005 : memref<128x192xf32, #tpu.memory_space<hbm>>)
    return
  }
}

</mosaic_0001>

<sc_bundles>
// kernel: kernel.3.cloned.1.call-start
scs
__scs_entry_jumppad:
0x0: {  	(pc) =	sbr.rel $0x88, $3  }
0x1: {  	(tag) =	ssettag $0x0;
	lr =	simm.s32 $0x1  }
0x2: {  	[smem:$0x3FA0] =	sst lr;
	_ =	strace $0xD0000000  }
0x3: {  	_ = 	snop  }
0x4: {  	_ = 	snop  }
0x5: {  	_ = 	snop  }
0x6: {  	_ = 	snop  }
0x7: {  	_ = 	snop  }
__scs_overlays_trampoline_lowered:
0x8: {  	[smem:$0x3FAF] =	sst s0  }
0x9: {  	[smem:$0x3FB0] =	sst s1  }
0xa: {  	[smem:$0x3FB1] =	sst s2  }
0xb: {  	[smem:$0x3FB2] =	sst s3  }
0xc: {  	[smem:$0x3FB3] =	sst s4  }
0xd: {  	[smem:$0x3FB4] =	sst s5  }
0xe: {  	[smem:$0x3FB5] =	sst s6  }
0xf: {  	[smem:$0x3FB6] =	sst s7  }
0x10: {  	[smem:$0x3FB7] =	sst s8  }
0x11: {  	[smem:$0x3FB8] =	sst s9;
	s0 =	simm.s32 @!p0 $0x0  }
0x12: {  	s1 =	sld [smem:$0x3F9E];
	s0 =	simm.s32 @p0 $0x1  }
0x13: {  	[smem:$0x3FB9] =	sst s0;
	s0 =	simm.s32 @!p1 $0x0  }
0x14: {  	s2 =	sld [smem:$0x3F9D];
	s0 =	simm.s32 @p1 $0x1  }
0x15: {  	[smem:$0x3FBA] =	sst s0;
	s0 =	simm.s32 @!p2 $0x0  }
0x16: {  	s3 =	sld [smem:$0x3FDB];
	s0 =	simm.s32 @p2 $0x1  }
0x17: {  	s4 =	simm.s32 $0x1BF5;
	[smem:$0x3FBC] =	sst s0  }
0x18: {  	s0 =	sld [smem:$0x3F9F];
	_ =	swait.ge [sflag:s4], $0x0  }
0x19: {  	s7 =	sld [smem:$0x3FA0]  }
0x1a: {  	s8 =	sadd.s32 $0xFFFFE003, lr  }
0x1b: {  	s9 =	sadd.s32 $0xFFFFFEF7, lr;
	s5 =	simm.s32 $0xFFFFFFFF;
	p2 =	slt.u32 s8, $0xFFFFF086  }
0x1c: {  	p1 =	slt.u32 s9, $0xF7A;
	s5 =	simm.s32 @!p2 $0x0  }
0x1d: {  	s5 =	simm.s32 @p1 $0x1;
	p0 =	seq.s32 s7, s2  }
0x1e: {  	s7 =	smul.u32 @!p0 $0xF7A, s2;
	p2 =	seq.s32 @!p0 s5, $0x0  }
0x1f: {  	s9 =	smul.u32 $0xF7A, s1;
	s8 =	simm.s32 @!p0 $0x1BF5;
	p2 =	por !p2, p0  }
0x20: {  	[sflag:s8] =	ssyncset.s32 @!p0 $0xFFFFF086;
	s6 =	sadd.s32 @!p0 s3, s7;
	s7 =	simm.s32 @!p0 $0x108  }
0x21: {  	s3 =	sadd.s32 s3, s9;
	s6 =	sadd.s32 @!p0 $0x88, s6;
	s7 =	simm.s32 @p2 $0x1082  }
0x22: {  	[simem:s7], [sflag:s8] =	dma.local @!p0 [hbm:s6], $0xF7A  }
0x23: {  	s9 =	sor.u32 $0xD0000000, s2;
	s6 =	simm.s32 $0x108;
	_ =	swait.ge @!p0 [sflag:s8], $0x0  }
0x24: {  	s3 =	sadd.s32 $0x88, s3;
	s6 =	simm.s32 @!p1 $0x1082;
	[sflag:s4] =	ssyncset.s32 $0xFFFFF086  }
0x25: {  	[simem:s6], [sflag:s4] =	dma.local [hbm:s3], $0xF7A  }
0x26: {  	[smem:$0x3FA0] =	sst s1;
	(tag) =	ssettag s2;
	_ =	strace s9  }
0x27: {  	s1 =	sld [smem:$0x3FB0]  }
0x28: {  	s2 =	sld [smem:$0x3FB1]  }
0x29: {  	s4 =	sld [smem:$0x3FB3]  }
0x2a: {  	p0 =	seq.s32 s5, $0x0;
	s5 =	sld [smem:$0x3FB4]  }
0x2b: {  	s6 =	sld [smem:$0x3FB5]  }
0x2c: {  	s7 =	sld [smem:$0x3FB6]  }
0x2d: {  	s3 =	simm.s32 $0x108;
	s8 =	sld [smem:$0x3FB7]  }
0x2e: {  	s3 =	simm.s32 @!p0 $0x1082;
	s9 =	sld [smem:$0x3FB8]  }
0x2f: {  	lr =	sadd.s32 s0, s3;
	s0 =	sld [smem:$0x3FAF]  }
0x30: {  	s3 =	sld [smem:$0x3FB2]  }
0x31: {  	[smem:$0x3FBB] =	sst s10  }
0x32: {  	s10 =	sld [smem:$0x3FB9];
	_ =	sdelay $0x3  }
0x33: {  	p0 =	seq.s32 s10, $0x1;
	s10 =	sld [smem:$0x3FBB];
	_ =	sdelay $0x3  }
0x34: {  	[smem:$0x3FBB] =	sst s10  }
0x35: {  	s10 =	sld [smem:$0x3FBA];
	_ =	sdelay $0x3  }
0x36: {  	p1 =	seq.s32 s10, $0x1;
	s10 =	sld [smem:$0x3FBB];
	_ =	sdelay $0x3  }
0x37: {  	[smem:$0x3FBB] =	sst s10  }
0x38: {  	s10 =	sld [smem:$0x3FBC]  }
0x39: {  	_ = 	snop;
	(pc) =	sbr.ind lr, $3  }
0x3a: {  	_ = 	snop  }
0x3b: {  	_ = 	snop  }
0x3c: {  	p2 =	seq.s32 s10, $0x1;
	s10 =	sld [smem:$0x3FBB]  }
0x3d: {  	_ =	shalt  }
0x3e: {  	_ =	shalt  }
0x3f: {  	_ =	shalt  }
0x40: {  	_ =	shalt  }
0x41: {  	_ =	shalt  }
0x42: {  	_ =	shalt  }
0x43: {  	_ =	shalt  }
0x44: {  	_ =	shalt  }
0x45: {  	_ =	shalt  }
0x46: {  	_ =	shalt  }
0x47: {  	_ =	shalt  }
0x48: {  	_ =	shalt  }
0x49: {  	_ =	shalt  }
0x4a: {  	_ =	shalt  }
0x4b: {  	_ =	shalt  }
0x4c: {  	_ =	shalt  }
0x4d: {  	_ =	shalt  }
0x4e: {  	_ =	shalt  }
0x4f: {  	_ =	shalt  }
0x50: {  	_ =	shalt  }
0x51: {  	_ =	shalt  }
0x52: {  	_ =	shalt  }
0x53: {  	_ =	shalt  }
0x54: {  	_ =	shalt  }
0x55: {  	_ =	shalt  }
0x56: {  	_ =	shalt  }
0x57: {  	_ =	shalt  }
0x58: {  	_ =	shalt  }
0x59: {  	_ =	shalt  }
0x5a: {  	_ =	shalt  }
0x5b: {  	_ =	shalt  }
0x5c: {  	_ =	shalt  }
0x5d: {  	_ =	shalt  }
0x5e: {  	_ =	shalt  }
0x5f: {  	_ =	shalt  }
0x60: {  	_ =	shalt  }
0x61: {  	_ =	shalt  }
0x62: {  	_ =	shalt  }
0x63: {  	_ =	shalt  }
0x64: {  	_ =	shalt  }
0x65: {  	_ =	shalt  }
0x66: {  	_ =	shalt  }
0x67: {  	_ =	shalt  }
0x68: {  	_ =	shalt  }
0x69: {  	_ =	shalt  }
0x6a: {  	_ =	shalt  }
0x6b: {  	_ =	shalt  }
0x6c: {  	_ =	shalt  }
0x6d: {  	_ =	shalt  }
0x6e: {  	_ =	shalt  }
0x6f: {  	_ =	shalt  }
0x70: {  	_ =	shalt  }
0x71: {  	_ =	shalt  }
0x72: {  	_ =	shalt  }
0x73: {  	_ =	shalt  }
0x74: {  	_ =	shalt  }
0x75: {  	_ =	shalt  }
0x76: {  	_ =	shalt  }
0x77: {  	_ =	shalt  }
0x78: {  	_ =	shalt  }
0x79: {  	_ =	shalt  }
0x7a: {  	_ =	shalt  }
0x7b: {  	_ =	shalt  }
0x7c: {  	_ =	shalt  }
0x7d: {  	_ =	shalt  }
0x7e: {  	_ =	shalt  }
0x7f: {  	_ =	shalt  }
0x80: {  	_ =	shalt  }
0x81: {  	_ =	shalt  }
0x82: {  	_ =	shalt  }
0x83: {  	_ =	shalt  }
0x84: {  	_ =	shalt  }
0x85: {  	_ =	shalt  }
0x86: {  	_ =	shalt  }
0x87: {  	_ =	shalt  }
.Lfunc_end0:
.L_simem_size_0:
called_computation_lowered:
.L_overlay_start_0:
0x88: {  	s2 =	sld [smem:$0x3FD9]  }
0x89: {  	s3 =	sld [smem:$0x3FFE];
	_ =	sdelay $0x1  }
0x8a: {  	s1 =	srdreg.scid  }
0x8b: {  	s0 =	sand.u32 $0x1, s1  }
0x8c: {  	s14 =	sshll.u32 s0, $0xA;
	s2 =	sadd.s32 s3, s2  }
0x8d: {  	s2 =	sadd.s32 s2, s14  }
0x8e: {  	[smem:$0x3FC7] =	sst s2  }
0x8f: {  	_ = 	snop  }
0x90: {  	s2 =	sld [smem:$0x3FD0];
	_ =	sdelay $0x2  }
0x91: {  	s15 =	simm.s32 $0xA;
	s4 =	simm.s32 $0x10  }
0x92: {  	[smem:s4], [sflag:s15] =	dma.local [hbm:s2], $0x1  }
0x93: {  	_ =	swait.eq [sflag:s15], $0x1  }
0x94: {  	[sflag:s15] =	ssyncset.done $0x0  }
0x95: {  	s16 =	sld [smem:$0x11];
	[sflag:s15] =	ssyncadd.s32 $0xFFFFFFFF  }
0x96: {  	s17 =	sld [smem:$0x12];
	(tm) =	ssettm $0x1  }
0x97: {  	s18 =	sld [smem:$0x3FFB];
	_ =	sdelay $0x3  }
0x98: {  	_ =	strace s18  }
0x99: {  	s4 =	sld [smem:$0x3FFC];
	_ =	sdelay $0x3  }
0x9a: {  	_ =	strace s4  }
0x9b: {  	s4 =	sld [smem:$0x3FFD];
	_ =	sdelay $0x3  }
0x9c: {  	_ =	strace s4  }
0x9d: {  	_ =	strace $0x8FFFFFFF  }
0x9e: {  	s19 =	sld [smem:$0x3FDB];
	_ =	sdelay $0x1  }
0x9f: {  	s5 =	simm.s32 $_scs_section_size  }
0xa0: {  	s6 =	simm.s32 $_size__tile_overlayer_lowered;
	s7 =	simm.s32 $_tile_overlayer_lowered  }
0xa1: {  	s22 =	simm.s32 $0x1BFF;
	s21 =	sshll.u32 s7, $0x1;
	s4 =	sadd.s32 s5, s19  }
0xa2: {  	s8 =	simm.s32 $0x0;
	s20 =	sshll.u32 s6, $0x1;
	s6 =	sadd.s32 s21, s4  }
0xa3: {  	[timem:s8], [sflag:s22] =	dma.local [hbm:s6], s20  }
0xa4: {  	_ =	swait.ge [sflag:s22], s20  }
0xa5: {  	s5 =	ssub.s32 $0x0, s20;
	[sflag:s22] =	ssyncset.done $0x0  }
0xa6: {  	[sflag:s22] =	ssyncadd.s32 s5;
	_ =	sdelay $0x1  }
0xa7: {  	s23 =	simm.s32 $0x1B8B  }
0xa8: {  	_ =	swait.ge [sflag:s23], $0x1  }
0xa9: {  	[sflag:s23] =	ssyncset.done $0x0  }
0xaa: {  	s25 =	simm.s32 $0x1B8E;
	s24 =	sld [smem:$0x3FFE];
	[sflag:s23] =	ssyncadd.s32 $0xFFFFFFFF  }
0xab: {  	s26 =	simm.s32 $execute0_lowered;
	[smem:$0x3FD2] =	sst s25  }
0xac: {  	s6 =	sshll.u32 s26, $0x1;
	_ =	strace $0x80000046;
	[dreg:$0x1] =	wrdreg $0xFFFFFFFF  }
0xad: {  	s28 =	simm.s32 $_size_execute0_lowered;
	s4 =	sadd.s32 s4, s6;
	[dreg:$0x0] =	wrdreg $0x0  }
0xae: {  	s6 =	sshll.u32 s28, $0x1;
	[dreg:$0x2] =	wrdreg s4  }
0xaf: {  	[dreg:$0x3] =	wrdreg s6  }
0xb0: {  	[dreg:$0x4] =	wrdreg $0xC0  }
0xb1: {  	_ =	task [dreg:s8], $0x5FFFF  }
0xb2: {  	[dreg:$0x1] =	wrdreg $0xFFFFFFFF  }
0xb3: {  	[dreg:$0x0] =	wrdreg $0x60  }
0xb4: {  	[dreg:$0x2] =	wrdreg s24  }
0xb5: {  	[dreg:$0x3] =	wrdreg s16  }
0xb6: {  	[dreg:$0x4] =	wrdreg s17  }
0xb7: {  	[dreg:$0x5] =	wrdreg $0x9  }
0xb8: {  	_ =	task.clear_ibuf [dreg:s8], $0x6FFFF;
	_ =	strace $0x90000046  }
0xb9: {  	s29 =	simm.s32 $0x9;
	_ =	strace $0x80000048  }
0xba: {  	_ =	swait.ge [sflag:s29], $0x1  }
0xbb: {  	[sflag:s29] =	ssyncadd.s32 $0xFFFFFFFF  }
0xbc: {  	_ =	strace $0x90000048  }
0xbd: {  	_ =	sfence  }
0xbe: {  	s30 =	sld [smem:$0x0];
	_ =	sdelay $0x2  }
0xbf: {  	s31 =	sshll.u32 s1, $0xD;
	s1 =	sshrl.u32 s1, $0x2  }
0xc0: {  	s3 =	sand.u32 $0x4000, s31;
	s1 =	sadd.s32 s1, s30  }
0xc1: {  	s0 =	sor.u32 s3, s0;
	s1 =	sshll.u32 s1, $0x11  }
0xc2: {  	s0 =	sor.u32 s1, s0  }
0xc3: {  	s0 =	sadd.s32 $0x8F2B, s0  }
0xc4: {  	[sflag:s0] =	ssyncadd.remote.s32 $0x1  }
0xc5: {  	_ =	sfence.sel $0xFFFF  }
0xc6: {  	[dreg:$0x0] =	wrdreg $0xFFFFFFFF;
	(pc) =	sbr.abs _section_cstart, $3  }
0xc7: {  	[dreg:$0x1] =	wrdreg $0xFFFFFFFF  }
0xc8: {  	_ =	task.clear_ibuf [dreg:s8], $0x2FFFF;
	_ =	strace $0x9FFFFFFF  }
0xc9: {  	(tm) =	ssettm $0x7FFFFFFF  }
tec
execute0_lowered:
.L_overlay_start_1:
0x0: {  	(tag) =	ssettag $0x1  }
0x1: {  	s0 =	rddreg [dreg:$0x0]  }
0x2: {  	s1 =	rddreg [dreg:$0x1]  }
0x3: {  	s3 =	rddreg [dreg:$0x2];
	s2 =	simm.s32 $0x0;
	s4 =	srdreg.scid  }
0x4: {  	s6 =	stileid.u32;
	[smem:$0x7FF] =	sst s2  }
0x5: {  	s5 =	sand.u32 $0x1, s4;
	s19 =	sshll.u32 s6, $0x1;
	s4 =	sadd.s32 $0x800, s0  }
0x6: {  	_ =	strace $0x80000047;
	s6 =	sor.u32 s5, s19;
	s5 =	ssub.s32 $0x2, s5  }
0x7: {  	s7 =	sshll.u32 s6, $0x10;
	s20 =	sshrl.u32 s5, $0x1;
	s24 =	sshll.u32 s6, $0x3  }
0x8: {  	s25 =	sshll.u32 s6, $0xA;
	s8 =	sadd.s32 s7, s0;
	s9 =	sxor.u32 $0x7F8000, s7  }
0x9: {  	s10 =	ssub.s32 s5, s20;
	s22 =	sxor.u32 $0x7F9000, s7;
	s23 =	sxor.u32 $0x7FA000, s7  }
0xa: {  	s11 =	sxor.u32 $0xFF, s24;
	s12 =	sxor.u32 $0xFE, s24;
	s13 =	sxor.u32 $0xFD, s24  }
0xb: {  	s14 =	sxor.u32 $0xFC, s24;
	s15 =	sxor.u32 $0xFB, s24;
	s16 =	sxor.u32 $0xFA, s24  }
0xc: {  	s17 =	sxor.u32 $0xF9, s24;
	s18 =	sxor.u32 $0xF8, s24;
	s1 =	sadd.s32 s1, s25  }
0xd: {  	s26 =	sxor.u32 $0x7FB000, s7;
	s5 =	sxor.u32 $0x7FC000, s7;
	s6 =	sxor.u32 $0x7FD000, s7  }
0xe: {  	s20 =	sxor.u32 $0x7FF000, s7;
	s21 =	sadd.s32 s4, s9;
	s0 =	sadd.s32 s4, s22  }
0xf: {  	s9 =	sxor.u32 $0x7FE000, s7;
	s22 =	sxor.u32 $0x7F1000, s7;
	s24 =	sadd.s32 $0x800800, s8  }
0x10: {  	[dreg:$0x7] =	wrdreg s1;
	s1 =	sadd.s32 $0x802800, s8;
	s28 =	sadd.s32 $0x809800, s8  }
0x11: {  	s30 =	sadd.s32 $0x80A800, s8;
	s31 =	sadd.s32 $0x80B800, s8  }
0x12: {  	v0 =	vmov s11;
	v1 =	vmov s12;
	s11 =	simm.s32 $0x7;
	s12 =	simm.s32 $0x1;
	[dreg:$0x4] =	wrdreg s21  }
0x13: {  	v2 =	vmov s13;
	v3 =	vmov s14;
	s13 =	simm.s32 $0x4;
	s14 =	simm.s32 $0x2;
	[dreg:$0x5] =	wrdreg s0  }
0x14: {  	v4 =	vmov s15;
	s15 =	simm.s32 $0x5;
	v5 =	vmov s16;
	s16 =	simm.s32 $0x3;
	[dreg:$0xf] =	wrdreg s24  }
0x15: {  	v6 =	vmov s17;
	s17 =	simm.s32 $0x6;
	s0 =	sadd.s32 s4, s23;
	[dreg:$0x12] =	wrdreg s1  }
0x16: {  	v7 =	vmov s18;
	s18 =	simm.s32 $0x0;
	s19 =	sadd.s32 s4, s9;
	[dreg:$0x6] =	wrdreg s0  }
0x17: {  	s21 =	sxor.u32 $0x7F0000, s7;
	s0 =	sadd.s32 s3, s25;
	[dreg:$0xc] =	wrdreg s19  }
0x18: {  	s23 =	sxor.u32 $0x7F2000, s7;
	s3 =	sadd.s32 s4, s26;
	[dreg:$0x8] =	wrdreg s0  }
0x19: {  	s9 =	sxor.u32 $0x7F5000, s7;
	s25 =	sadd.s32 $0x801800, s8;
	[dreg:$0x9] =	wrdreg s3  }
0x1a: {  	s1 =	sadd.s32 $0x80C800, s8;
	s26 =	sadd.s32 s4, s22;
	[dreg:$0x10] =	wrdreg s25  }
0x1b: {  	s19 =	sxor.u32 $0x7F6000, s7;
	s22 =	sadd.s32 $0x804800, s8;
	[dreg:$0x11] =	wrdreg s26  }
0x1c: {  	s29 =	sadd.s32 s4, s9;
	s0 =	sadd.s32 s4, s5;
	[dreg:$0x15] =	wrdreg s22  }
0x1d: {  	s9 =	simm.s32 $0x10000;
	s25 =	sadd.s32 $0x806800, s8;
	[dreg:$0xa] =	wrdreg s0  }
0x1e: {  	s5 =	sxor.u32 $0x7F3000, s7;
	s26 =	sadd.s32 $0x807800, s8;
	[dreg:$0x18] =	wrdreg s25  }
0x1f: {  	s3 =	sadd.s32 $0x80D800, s8;
	s0 =	sadd.s32 s4, s6;
	[dreg:$0x19] =	wrdreg s26  }
0x20: {  	s6 =	sxor.u32 $0x7F4000, s7;
	s24 =	sadd.s32 s4, s5;
	[dreg:$0xb] =	wrdreg s0  }
0x21: {  	s7 =	sxor.u32 $0x7F7000, s7;
	s0 =	sadd.s32 s4, s20;
	[dreg:$0x17] =	wrdreg s24  }
0x22: {  	s26 =	sadd.s32 $0x808800, s8;
	s20 =	sadd.s32 $0x803800, s8;
	[dreg:$0xd] =	wrdreg s0  }
0x23: {  	s5 =	sadd.s32 $0x80E800, s8;
	s0 =	sadd.s32 s4, s21;
	[dreg:$0x13] =	wrdreg s20  }
0x24: {  	s25 =	sadd.s32 s4, s6;
	s21 =	sadd.s32 s4, s23;
	[dreg:$0xe] =	wrdreg s0  }
0x25: {  	s6 =	sadd.s32 $0x80F800, s8;
	s23 =	sadd.s32 $0x805800, s8;
	[dreg:$0x14] =	wrdreg s21  }
0x26: {  	s8 =	simm.s32 $0x8000;
	[dreg:$0x16] =	wrdreg s23;
	s0 =	sadd.s32 s4, s19  }
0x27: {  	s4 =	sadd.s32 s4, s7;
	s7 =	smax.u32 s10, $0x1;
	s10 =	simm.s32 $0x18000  }
.LBB2_1:
0x28: {  	s19 =	rddreg [dreg:$0x4]  }
0x29: {  	[tilespmem:s2], [sflag:$0x1] =	stream.linear.gather [hbm4b:s19+s2], $0x8000, $0x38;
	[tilespmem:$0x1A000] =	vst v63  }
0x2a: {  	s22 =	rddreg [dreg:$0x5];
	s24 =	sand.u32 $0x70, s2;
	s20 =	sand.u32 $0x1C00, s2  }
0x2b: {  	[tilespmem:s8], [sflag:$0x2] =	stream.linear.gather [hbm4b:s22+s2], $0x8000, $0x38;
	[tilespmem:$0x1A000] =	vst v63  }
0x2c: {  	s23 =	rddreg [dreg:$0x6];
	s19 =	sor.u32 s24, s20  }
0x2d: {  	[tilespmem:s9], [sflag:$0x3] =	stream.linear.gather [hbm4b:s23+s2], $0x8000, $0x38;
	[tilespmem:$0x1A000] =	vst v63  }
0x2e: {  	s21 =	simm.s32 $0x0;
	s20 =	simm.s32 $0x10;
	[tilespmem:s19+$0x18000] =	vst v0  }
.LBB2_2:
0x2f: {  	p0 =	sne.s32 s20, $0x3F0  }
.Ltmp0:
0x30: {  	_ = 	snop;
	(pc) =	sbr.rel @p0 .LBB2_2-.Ltmp0, $4  }
0x31: {  	s21 =	sadd.s32 $0x80, s21  }
0x32: {  	s19 =	sand.u32 $0x70, s20;
	s22 =	sand.u32 $0x1C00, s21  }
0x33: {  	s19 =	sor.u32 s19, s22  }
0x34: {  	s20 =	sadd.s32 $0x10, s20;
	[tilespmem:s19+$0x18000] =	vst v0;
	s19 =	simm.s32 $0x0  }
0x35: {  	s20 =	sand.u32 $0x70, s19;
	s21 =	sand.u32 $0x1C00, s19  }
0x36: {  	s20 =	sor.u32 s20, s21  }
0x37: {  	s22 =	simm.s32 $0x0;
	s21 =	simm.s32 $0x10;
	[tilespmem:s20+$0x18080] =	vst v1  }
.LBB2_4:
0x38: {  	p0 =	sne.s32 s21, $0x3F0  }
.Ltmp1:
0x39: {  	_ = 	snop;
	(pc) =	sbr.rel @p0 .LBB2_4-.Ltmp1, $4  }
0x3a: {  	s22 =	sadd.s32 $0x80, s22  }
0x3b: {  	s23 =	sand.u32 $0x70, s21;
	s24 =	sand.u32 $0x1C00, s22  }
0x3c: {  	s23 =	sor.u32 s23, s24  }
0x3d: {  	s21 =	sadd.s32 $0x10, s21;
	[tilespmem:s23+$0x18080] =	vst v1  }
0x3e: {  	s21 =	simm.s32 $0x10;
	[tilespmem:s20+$0x18100] =	vst v2  }
.LBB2_6:
0x3f: {  	p0 =	sne.s32 s21, $0x3F0  }
.Ltmp2:
0x40: {  	_ = 	snop;
	(pc) =	sbr.rel @p0 .LBB2_6-.Ltmp2, $4  }
0x41: {  	s19 =	sadd.s32 $0x80, s19  }
0x42: {  	s20 =	sand.u32 $0x70, s21;
	s22 =	sand.u32 $0x1C00, s19  }
0x43: {  	s20 =	sor.u32 s20, s22  }
0x44: {  	s21 =	sadd.s32 $0x10, s21;
	[tilespmem:s20+$0x18100] =	vst v2;
	s20 =	simm.s32 $0x0  }
0x45: {  	s19 =	sand.u32 $0x70, s20;
	s21 =	sand.u32 $0x1C00, s20  }
0x46: {  	s19 =	sor.u32 s19, s21  }
0x47: {  	s22 =	simm.s32 $0x0;
	s21 =	simm.s32 $0x10;
	[tilespmem:s19+$0x18180] =	vst v3  }
.LBB2_8:
0x48: {  	p0 =	sne.s32 s21, $0x3F0  }
.Ltmp3:
0x49: {  	_ = 	snop;
	(pc) =	sbr.rel @p0 .LBB2_8-.Ltmp3, $4  }
0x4a: {  	s22 =	sadd.s32 $0x80, s22  }
0x4b: {  	s23 =	sand.u32 $0x70, s21;
	s24 =	sand.u32 $0x1C00, s22  }
0x4c: {  	s23 =	sor.u32 s23, s24  }
0x4d: {  	s21 =	sadd.s32 $0x10, s21;
	[tilespmem:s23+$0x18180] =	vst v3  }
0x4e: {  	s21 =	simm.s32 $0x10;
	[tilespmem:s19+$0x18200] =	vst v4  }
.LBB2_10:
0x4f: {  	p0 =	sne.s32 s21, $0x3F0  }
.Ltmp4:
0x50: {  	_ = 	snop;
	(pc) =	sbr.rel @p0 .LBB2_10-.Ltmp4, $4  }
0x51: {  	s20 =	sadd.s32 $0x80, s20  }
0x52: {  	s19 =	sand.u32 $0x70, s21;
	s22 =	sand.u32 $0x1C00, s20  }
0x53: {  	s19 =	sor.u32 s19, s22  }
0x54: {  	s21 =	sadd.s32 $0x10, s21;
	[tilespmem:s19+$0x18200] =	vst v4;
	s19 =	simm.s32 $0x0  }
0x55: {  	s20 =	sand.u32 $0x70, s19;
	s21 =	sand.u32 $0x1C00, s19  }
0x56: {  	s21 =	sor.u32 s20, s21  }
0x57: {  	s20 =	simm.s32 $0x10;
	[tilespmem:s21+$0x18280] =	vst v5;
	s21 =	simm.s32 $0x0  }
.LBB2_12:
0x58: {  	p0 =	sne.s32 s20, $0x3F0  }
.Ltmp5:
0x59: {  	_ = 	snop;
	(pc) =	sbr.rel @p0 .LBB2_12-.Ltmp5, $4  }
0x5a: {  	s21 =	sadd.s32 $0x80, s21  }
0x5b: {  	s22 =	sand.u32 $0x70, s20;
	s23 =	sand.u32 $0x1C00, s21  }
0x5c: {  	s22 =	sor.u32 s22, s23  }
0x5d: {  	s20 =	sadd.s32 $0x10, s20;
	[tilespmem:s22+$0x18280] =	vst v5  }
0x5e: {  	s20 =	simm.s32 $0x0  }
.LBB2_14:
0x5f: {  	p0 =	sne.s32 s20, $0x3F0  }
.Ltmp6:
0x60: {  	_ = 	snop;
	(pc) =	sbr.rel @p0 .LBB2_14-.Ltmp6, $4  }
0x61: {  	_ = 	snop  }
0x62: {  	s21 =	sand.u32 $0x70, s20;
	s22 =	sand.u32 $0x1C00, s19  }
0x63: {  	s21 =	sor.u32 s21, s22  }
0x64: {  	s19 =	sadd.s32 $0x80, s19;
	s20 =	sadd.s32 $0x10, s20;
	[tilespmem:s21+$0x18300] =	vst v6  }
0x65: {  	s19 =	simm.s32 $0x0  }
0x66: {  	s21 =	sor.u32 s19, s19  }
0x67: {  	s20 =	simm.s32 $0x10;
	s21 =	sor.u32 $0x380, s21  }
.LBB2_16:
0x68: {  	p0 =	sne.s32 s20, $0x3F0  }
0x69: {  	[tilespmem:s21+$0x18000] =	vst v7;
	s19 =	sadd.s32 $0x80, s19;
	s21 =	smov.u32 s20;
	s20 =	sadd.s32 $0x10, s20  }
.Ltmp7:
0x6a: {  	(pc) =	sbr.rel @p0 .LBB2_16-.Ltmp7, $3  }
0x6b: {  	_ =	sdelay $0x1  }
0x6c: {  	s21 =	sor.u32 s19, s21  }
0x6d: {  	s21 =	sor.u32 $0x380, s21  }
0x6e: {  	[tilespmem:s21+$0x18000] =	vst v7;
	s19 =	rddreg [dreg:$0x7]  }
0x6f: {  	[hbm4b:s19+s2] =	stream.linear.scatter [tilespmem:s10], [sflag:$0x7], $0x2000, $0x38;
	[tilespmem:$0x1A000] =	vst v63  }
0x70: {  	_ =	swait.ge [sflag:s11], $0x2000  }
0x71: {  	[sflag:s11] =	ssyncset.done $0x0  }
0x72: {  	s22 =	rddreg [dreg:$0x8];
	[sflag:s11] =	ssyncadd.s32 $0xFFFFE000  }
0x73: {  	[hbm4b:s22+s2] =	stream.linear.scatter [tilespmem:s10], [sflag:$0x7], $0x2000, $0x38;
	[tilespmem:$0x1A000] =	vst v63  }
0x74: {  	_ =	swait.ge [sflag:s11], $0x2000  }
0x75: {  	[sflag:s11] =	ssyncset.done $0x0  }
0x76: {  	[sflag:s11] =	ssyncadd.s32 $0xFFFFE000  }
0x77: {  	_ =	swait.ge [sflag:s12], $0x8000  }
0x78: {  	[sflag:s12] =	ssyncset.done $0x0  }
0x79: {  	s23 =	rddreg [dreg:$0xf];
	[sflag:s12] =	ssyncadd.s32 $0xFFFF8000  }
0x7a: {  	[hbm4b:s23+s2] =	stream.linear.scatter [tilespmem:s2], [sflag:$0x4], $0x8000, $0x38;
	[tilespmem:$0x1A000] =	vst v63  }
0x7b: {  	_ =	swait.ge [sflag:s13], $0x8000  }
0x7c: {  	[sflag:s13] =	ssyncset.done $0x0  }
0x7d: {  	s24 =	rddreg [dreg:$0x9];
	[sflag:s13] =	ssyncadd.s32 $0xFFFF8000  }
0x7e: {  	[tilespmem:s2], [sflag:$0x1] =	stream.linear.gather [hbm4b:s24+s2], $0x8000, $0x38;
	[tilespmem:$0x1A000] =	vst v63  }
0x7f: {  	_ =	swait.ge [sflag:s14], $0x8000  }
0x80: {  	[sflag:s14] =	ssyncset.done $0x0  }
0x81: {  	s20 =	rddreg [dreg:$0x10];
	[sflag:s14] =	ssyncadd.s32 $0xFFFF8000  }
0x82: {  	[hbm4b:s20+s2] =	stream.linear.scatter [tilespmem:s8], [sflag:$0x5], $0x8000, $0x38;
	[tilespmem:$0x1A000] =	vst v63  }
0x83: {  	_ =	swait.ge [sflag:s15], $0x8000  }
0x84: {  	[sflag:s15] =	ssyncset.done $0x0  }
0x85: {  	s21 =	rddreg [dreg:$0xa];
	[sflag:s15] =	ssyncadd.s32 $0xFFFF8000  }
0x86: {  	[tilespmem:s8], [sflag:$0x2] =	stream.linear.gather [hbm4b:s21+s2], $0x8000, $0x38;
	[tilespmem:$0x1A000] =	vst v63  }
0x87: {  	_ =	swait.ge [sflag:s16], $0x8000  }
0x88: {  	[sflag:s16] =	ssyncset.done $0x0  }
0x89: {  	s22 =	rddreg [dreg:$0x12];
	[sflag:s16] =	ssyncadd.s32 $0xFFFF8000  }
0x8a: {  	[hbm4b:s22+s2] =	stream.linear.scatter [tilespmem:s9], [sflag:$0x6], $0x8000, $0x38;
	[tilespmem:$0x1A000] =	vst v63  }
0x8b: {  	_ =	swait.ge [sflag:s17], $0x8000  }
0x8c: {  	[sflag:s17] =	ssyncset.done $0x0  }
0x8d: {  	s23 =	rddreg [dreg:$0xb];
	[sflag:s17] =	ssyncadd.s32 $0xFFFF8000  }
0x8e: {  	[tilespmem:s9], [sflag:$0x3] =	stream.linear.gather [hbm4b:s23+s2], $0x8000, $0x38;
	[tilespmem:$0x1A000] =	vst v63  }
0x8f: {  	_ =	swait.ge [sflag:s12], $0x8000  }
0x90: {  	[sflag:s12] =	ssyncset.done $0x0  }
0x91: {  	s24 =	rddreg [dreg:$0x13];
	[sflag:s12] =	ssyncadd.s32 $0xFFFF8000  }
0x92: {  	[hbm4b:s24+s2] =	stream.linear.scatter [tilespmem:s2], [sflag:$0x4], $0x8000, $0x38;
	[tilespmem:$0x1A000] =	vst v63  }
0x93: {  	_ =	swait.ge [sflag:s13], $0x8000  }
0x94: {  	[sflag:s13] =	ssyncset.done $0x0  }
0x95: {  	s20 =	rddreg [dreg:$0xc];
	[sflag:s13] =	ssyncadd.s32 $0xFFFF8000  }
0x96: {  	[tilespmem:s2], [sflag:$0x1] =	stream.linear.gather [hbm4b:s20+s2], $0x8000, $0x38;
	[tilespmem:$0x1A000] =	vst v63  }
0x97: {  	_ =	swait.ge [sflag:s14], $0x8000  }
0x98: {  	[sflag:s14] =	ssyncset.done $0x0  }
0x99: {  	s21 =	rddreg [dreg:$0x15];
	[sflag:s14] =	ssyncadd.s32 $0xFFFF8000  }
0x9a: {  	[hbm4b:s21+s2] =	stream.linear.scatter [tilespmem:s8], [sflag:$0x5], $0x8000, $0x38;
	[tilespmem:$0x1A000] =	vst v63  }
0x9b: {  	_ =	swait.ge [sflag:s15], $0x8000  }
0x9c: {  	[sflag:s15] =	ssyncset.done $0x0  }
0x9d: {  	s22 =	rddreg [dreg:$0xd];
	[sflag:s15] =	ssyncadd.s32 $0xFFFF8000  }
0x9e: {  	[tilespmem:s8], [sflag:$0x2] =	stream.linear.gather [hbm4b:s22+s2], $0x8000, $0x38;
	[tilespmem:$0x1A000] =	vst v63  }
0x9f: {  	_ =	swait.ge [sflag:s16], $0x8000  }
0xa0: {  	[sflag:s16] =	ssyncset.done $0x0  }
0xa1: {  	s23 =	rddreg [dreg:$0x16];
	[sflag:s16] =	ssyncadd.s32 $0xFFFF8000  }
0xa2: {  	[hbm4b:s23+s2] =	stream.linear.scatter [tilespmem:s9], [sflag:$0x6], $0x8000, $0x38;
	[tilespmem:$0x1A000] =	vst v63  }
0xa3: {  	_ =	swait.ge [sflag:s17], $0x8000  }
0xa4: {  	[sflag:s17] =	ssyncset.done $0x0  }
0xa5: {  	s24 =	rddreg [dreg:$0xe];
	[sflag:s17] =	ssyncadd.s32 $0xFFFF8000  }
0xa6: {  	[tilespmem:s9], [sflag:$0x3] =	stream.linear.gather [hbm4b:s24+s2], $0x8000, $0x38;
	[tilespmem:$0x1A000] =	vst v63  }
0xa7: {  	_ =	swait.ge [sflag:s12], $0x8000  }
0xa8: {  	[sflag:s12] =	ssyncset.done $0x0  }
0xa9: {  	s20 =	rddreg [dreg:$0x18];
	[sflag:s12] =	ssyncadd.s32 $0xFFFF8000  }
0xaa: {  	[hbm4b:s20+s2] =	stream.linear.scatter [tilespmem:s2], [sflag:$0x4], $0x8000, $0x38;
	[tilespmem:$0x1A000] =	vst v63  }
0xab: {  	_ =	swait.ge [sflag:s13], $0x8000  }
0xac: {  	[sflag:s13] =	ssyncset.done $0x0  }
0xad: {  	s21 =	rddreg [dreg:$0x11];
	[sflag:s13] =	ssyncadd.s32 $0xFFFF8000  }
0xae: {  	[tilespmem:s2], [sflag:$0x1] =	stream.linear.gather [hbm4b:s21+s2], $0x8000, $0x38;
	[tilespmem:$0x1A000] =	vst v63  }
0xaf: {  	_ =	swait.ge [sflag:s14], $0x8000  }
0xb0: {  	[sflag:s14] =	ssyncset.done $0x0  }
0xb1: {  	s22 =	rddreg [dreg:$0x19];
	[sflag:s14] =	ssyncadd.s32 $0xFFFF8000  }
0xb2: {  	[hbm4b:s22+s2] =	stream.linear.scatter [tilespmem:s8], [sflag:$0x5], $0x8000, $0x38;
	[tilespmem:$0x1A000] =	vst v63  }
0xb3: {  	_ =	swait.ge [sflag:s15], $0x8000  }
0xb4: {  	[sflag:s15] =	ssyncset.done $0x0  }
0xb5: {  	s23 =	rddreg [dreg:$0x14];
	[sflag:s15] =	ssyncadd.s32 $0xFFFF8000  }
0xb6: {  	[tilespmem:s8], [sflag:$0x2] =	stream.linear.gather [hbm4b:s23+s2], $0x8000, $0x38;
	[tilespmem:$0x1A000] =	vst v63  }
0xb7: {  	_ =	swait.ge [sflag:s16], $0x8000  }
0xb8: {  	[sflag:s16] =	ssyncset.done $0x0  }
0xb9: {  	[sflag:s16] =	ssyncadd.s32 $0xFFFF8000  }
0xba: {  	[hbm4b:s26+s2] =	stream.linear.scatter [tilespmem:s9], [sflag:$0x6], $0x8000, $0x38;
	[tilespmem:$0x1A000] =	vst v63  }
0xbb: {  	_ =	swait.ge [sflag:s17], $0x8000  }
0xbc: {  	[sflag:s17] =	ssyncset.done $0x0  }
0xbd: {  	s24 =	rddreg [dreg:$0x17];
	[sflag:s17] =	ssyncadd.s32 $0xFFFF8000  }
0xbe: {  	[tilespmem:s9], [sflag:$0x3] =	stream.linear.gather [hbm4b:s24+s2], $0x8000, $0x38;
	[tilespmem:$0x1A000] =	vst v63  }
0xbf: {  	_ =	swait.ge [sflag:s12], $0x8000  }
0xc0: {  	[sflag:s12] =	ssyncset.done $0x0  }
0xc1: {  	[sflag:s12] =	ssyncadd.s32 $0xFFFF8000  }
0xc2: {  	[hbm4b:s28+s2] =	stream.linear.scatter [tilespmem:s2], [sflag:$0x4], $0x8000, $0x38;
	[tilespmem:$0x1A000] =	vst v63  }
0xc3: {  	_ =	swait.ge [sflag:s13], $0x8000  }
0xc4: {  	[sflag:s13] =	ssyncset.done $0x0  }
0xc5: {  	[sflag:s13] =	ssyncadd.s32 $0xFFFF8000  }
0xc6: {  	[tilespmem:s2], [sflag:$0x1] =	stream.linear.gather [hbm4b:s25+s2], $0x8000, $0x38;
	[tilespmem:$0x1A000] =	vst v63  }
0xc7: {  	_ =	swait.ge [sflag:s14], $0x8000  }
0xc8: {  	[sflag:s14] =	ssyncset.done $0x0  }
0xc9: {  	[sflag:s14] =	ssyncadd.s32 $0xFFFF8000  }
0xca: {  	[hbm4b:s30+s2] =	stream.linear.scatter [tilespmem:s8], [sflag:$0x5], $0x8000, $0x38;
	[tilespmem:$0x1A000] =	vst v63  }
0xcb: {  	_ =	swait.ge [sflag:s15], $0x8000  }
0xcc: {  	[sflag:s15] =	ssyncset.done $0x0  }
0xcd: {  	[sflag:s15] =	ssyncadd.s32 $0xFFFF8000  }
0xce: {  	[tilespmem:s8], [sflag:$0x2] =	stream.linear.gather [hbm4b:s29+s2], $0x8000, $0x38;
	[tilespmem:$0x1A000] =	vst v63  }
0xcf: {  	_ =	swait.ge [sflag:s16], $0x8000  }
0xd0: {  	[sflag:s16] =	ssyncset.done $0x0  }
0xd1: {  	[sflag:s16] =	ssyncadd.s32 $0xFFFF8000  }
0xd2: {  	[hbm4b:s31+s2] =	stream.linear.scatter [tilespmem:s9], [sflag:$0x6], $0x8000, $0x38;
	[tilespmem:$0x1A000] =	vst v63  }
0xd3: {  	_ =	swait.ge [sflag:s17], $0x8000  }
0xd4: {  	[sflag:s17] =	ssyncset.done $0x0  }
0xd5: {  	[sflag:s17] =	ssyncadd.s32 $0xFFFF8000  }
0xd6: {  	[tilespmem:s9], [sflag:$0x3] =	stream.linear.gather [hbm4b:s0+s2], $0x8000, $0x38;
	[tilespmem:$0x1A000] =	vst v63  }
0xd7: {  	_ =	swait.ge [sflag:s12], $0x8000  }
0xd8: {  	[sflag:s12] =	ssyncset.done $0x0  }
0xd9: {  	[sflag:s12] =	ssyncadd.s32 $0xFFFF8000  }
0xda: {  	[hbm4b:s1+s2] =	stream.linear.scatter [tilespmem:s2], [sflag:$0x4], $0x8000, $0x38;
	[tilespmem:$0x1A000] =	vst v63  }
0xdb: {  	_ =	swait.ge [sflag:s13], $0x8000  }
0xdc: {  	[sflag:s13] =	ssyncset.done $0x0  }
0xdd: {  	[sflag:s13] =	ssyncadd.s32 $0xFFFF8000  }
0xde: {  	[tilespmem:s2], [sflag:$0x1] =	stream.linear.gather [hbm4b:s4+s2], $0x8000, $0x38;
	[tilespmem:$0x1A000] =	vst v63  }
0xdf: {  	_ =	swait.ge [sflag:s14], $0x8000  }
0xe0: {  	[sflag:s14] =	ssyncset.done $0x0  }
0xe1: {  	[sflag:s14] =	ssyncadd.s32 $0xFFFF8000  }
0xe2: {  	[hbm4b:s3+s2] =	stream.linear.scatter [tilespmem:s8], [sflag:$0x5], $0x8000, $0x38;
	[tilespmem:$0x1A000] =	vst v63  }
0xe3: {  	_ =	swait.ge [sflag:s16], $0x8000  }
0xe4: {  	[sflag:s16] =	ssyncset.done $0x0  }
0xe5: {  	[sflag:s16] =	ssyncadd.s32 $0xFFFF8000  }
0xe6: {  	[hbm4b:s5+s2] =	stream.linear.scatter [tilespmem:s9], [sflag:$0x6], $0x8000, $0x38;
	[tilespmem:$0x1A000] =	vst v63  }
0xe7: {  	_ =	swait.ge [sflag:s12], $0x8000  }
0xe8: {  	[sflag:s12] =	ssyncset.done $0x0  }
0xe9: {  	[sflag:s12] =	ssyncadd.s32 $0xFFFF8000  }
0xea: {  	[hbm4b:s6+s2] =	stream.linear.scatter [tilespmem:s2], [sflag:$0x4], $0x8000, $0x38;
	[tilespmem:$0x1A000] =	vst v63  }
0xeb: {  	_ =	swait.ge [sflag:s15], $0x8000  }
0xec: {  	[sflag:s15] =	ssyncset.done $0x0  }
0xed: {  	s18 =	sadd.s32 $0x1, s18;
	[sflag:s15] =	ssyncadd.s32 $0xFFFF8000  }
0xee: {  	p0 =	sne.s32 s18, s7;
	_ =	swait.ge [sflag:s17], $0x8000  }
.Ltmp8:
0xef: {  	[sflag:s17] =	ssyncset.done $0x0;
	(pc) =	sbr.rel @p0 .LBB2_1-.Ltmp8, $4  }
0xf0: {  	[sflag:s17] =	ssyncadd.s32 $0xFFFF8000  }
0xf1: {  	_ =	swait.ge [sflag:s13], $0x8000  }
0xf2: {  	[sflag:s13] =	ssyncset.done $0x0  }
0xf3: {  	[sflag:s13] =	ssyncadd.s32 $0xFFFF8000  }
0xf4: {  	_ =	sfence.sel $0x180000  }
0xf5: {  	[bflag:$0x0] =	sbarrier.arrive $0xFFFF  }
0xf6: {  	_ =	strace $0x90000047  }
0xf7: {  	s0 =	stileid.u32;
	[bflag:$0x2] =	sbarrier.arrive $0xFFFF  }
0xf8: {  	p0 =	sne.s32 s0, $0x0;
	s0 =	rddreg [dreg:$0x3]  }
0xf9: {  	s0 =	sadd.s32 @!p0 $0x100000, s0  }
0xfa: {  	[sflag:s0] =	ssyncadd.tile.s32 @!p0 $0x1;
	_ =	shalt  }
.Lfunc_end2:
_tile_overlayer_lowered:
.L_overlay_start_2:
0xfb: {  	(tag) =	ssettag $0x2  }
0xfc: {  	s0 =	rddreg [dreg:$0x0];
	s2 =	stileid.u32  }
0xfd: {  	s1 =	rddreg [dreg:$0x1];
	p0 =	sne.s32 s2, $0x0  }
0xfe: {  	s3 =	rddreg [dreg:$0x2];
	[bflag:$0x3] =	sbarrier.arrive $0xFFFF;
	s2 =	simm.s32 @!p0 $0x1C07  }
0xff: {  	[timem:s3], [sflag:s2] =	dma.local @!p0 [hbm:s0], s1  }
0x100: {  	s0 =	simm.s32 @!p0 $0x7  }
0x101: {  	_ =	swait.ge @!p0 [sflag:s0], s1  }
0x102: {  	s1 =	ssub.s32 @!p0 $0x0, s1;
	[sflag:s0] =	ssyncset.done @!p0 $0x0  }
0x103: {  	[sflag:s0] =	ssyncadd.s32 @!p0 s1  }
0x104: {  	[bflag:$0x3] =	sbarrier.arrive $0xFFFF  }
0x105: {  	_ =	shalt  }

</sc_bundles>
